<compile_context>
chip_gen: v7x
topology: tpu7x:2x2x1
jax: 0.10.2.dev20260603
libtpu: 0.0.44.dev20260713+nightly
codegen_flags: <defaults>
</compile_context>

<pallas_src>
import functools

import jax
import jax.numpy as jnp
from jax import lax
from jax.experimental import pallas as pl
from jax.experimental.pallas import tpu as pltpu, tpu_sc as plsc

B = 16384
UD = 64
UDP = 128
SD = 32
NT = 16
OUT_D = UD + 3 * SD



def _sc_gather_body(table_hbm, idx_hbm, out_hbm, idx_v, rows_v, sem,
                    *, n_chunks, chunk, b_per_w, nc):
    wid = lax.axis_index("s") * nc + lax.axis_index("c")
    base = wid * b_per_w
    pltpu.sync_copy(idx_hbm.at[pl.ds(base, b_per_w)], idx_v)
    copies = [
        pltpu.async_copy(table_hbm.at[idx_v.at[pl.ds(j * chunk, chunk)]],
                         rows_v.at[pl.ds(j * chunk, chunk)], sem)
        for j in range(n_chunks)
    ]
    for c in copies:
        c.wait()
    pltpu.sync_copy(rows_v, out_hbm.at[pl.ds(base, b_per_w)])


def _unit_gather_sc(unit_table, unit_ids):
    info = plsc.get_sparse_core_info()
    nc, ns = info.num_cores, info.num_subcores
    nw = nc * ns
    b_per_w = B // nw
    chunk = 128
    n_chunks = b_per_w // chunk
    mesh = plsc.VectorSubcoreMesh(core_axis_name="c", subcore_axis_name="s")
    kern = pl.kernel(
        functools.partial(_sc_gather_body, n_chunks=n_chunks, chunk=chunk,
                          b_per_w=b_per_w, nc=nc),
        out_type=jax.ShapeDtypeStruct((B, UDP), jnp.float32),
        mesh=mesh,
        scratch_types=[
            pltpu.VMEM((b_per_w,), jnp.int32),
            pltpu.VMEM((b_per_w, UDP), jnp.float32),
            pltpu.SemaphoreType.DMA,
        ],
        compiler_params=pltpu.CompilerParams(use_tc_tiling_on_sc=True),
    )
    return kern(jnp.pad(unit_table, ((0, 0), (0, UDP - UD))), unit_ids)



NSLOT = 20
KL = 256
AW, TW, SW = 14, 16, 4
TBASE, SBASE = 8 * AW, 8 * AW + 8 * TW


def _ext_block(table, query, t):
    nrows = table.shape[0]
    s = jnp.sum(table * query, axis=1, keepdims=True)
    m = jnp.max(s)
    w = jnp.exp(s - m)
    z = lambda c: jnp.zeros((nrows, c), jnp.float32)
    parts = [(SD * t, None), (0, table * w), (2 * SD - SD * t, None),
             (t, None), (0, w), (3 - t, None)]
    ext = jnp.concatenate(
        [p if p is not None else z(c) for c, p in parts if p is not None or c],
        axis=1)
    if nrows < NT:
        ext = jnp.concatenate(
            [ext, jnp.zeros((NT - nrows, ext.shape[1]), jnp.float32)], axis=0)
    return ext


def _tc_pool_body(uf_ref, aid_ref, tid_ref, sid_ref,
                  at_ref, tt_ref, st_ref, aq_ref, tq_ref, sq_ref, out_ref):
    R = uf_ref.shape[0]
    out_ref[:, 0:UD] = uf_ref[:, 0:UD]

    extall = jnp.concatenate([
        _ext_block(at_ref[...], aq_ref[...], 0),
        _ext_block(tt_ref[...], tq_ref[...], 1),
        _ext_block(st_ref[...], sq_ref[...], 2)], axis=0)
    k1 = lax.broadcasted_iota(jnp.int32, (KL, 48), 0)
    tno1 = jnp.where(k1 < TBASE, 0, jnp.where(k1 < SBASE, 1, 2))
    jm1 = jnp.where(k1 < TBASE, k1 % AW,
                    jnp.where(k1 < SBASE, (k1 - TBASE) % TW,
                              (k1 - SBASE) % SW))
    ci = lax.broadcasted_iota(jnp.int32, (KL, 48), 1)
    sel = (ci == tno1 * NT + jm1)
    ext = jnp.dot(sel.astype(jnp.float32), extall,
                  preferred_element_type=jnp.float32,
                  precision=lax.Precision.HIGHEST)

    def spread_mat(nslots, width, base):
        sr = lax.broadcasted_iota(jnp.int32, (nslots, KL), 0)
        sc = lax.broadcasted_iota(jnp.int32, (nslots, KL), 1)
        ink = (sc >= base) & (sc < base + nslots * width)
        return (ink & ((sc - base) // width == sr)).astype(jnp.float32)

    idr = (jnp.dot(aid_ref[...].astype(jnp.float32), spread_mat(8, AW, 0),
                   preferred_element_type=jnp.float32)
           + jnp.dot(tid_ref[...].astype(jnp.float32),
                     spread_mat(8, TW, TBASE),
                     preferred_element_type=jnp.float32)
           + jnp.dot(sid_ref[...].astype(jnp.float32),
                     spread_mat(4, SW, SBASE),
                     preferred_element_type=jnp.float32))
    k2 = lax.broadcasted_iota(jnp.int32, (1, KL), 1)
    jmod = jnp.where(k2 < TBASE, k2 % AW,
                     jnp.where(k2 < SBASE, (k2 - TBASE) % TW,
                               (k2 - SBASE) % SW))
    eq = (idr == jmod.astype(jnp.float32)).astype(jnp.float32)
    nd = jnp.dot(eq, ext, preferred_element_type=jnp.float32)

    rec = 1.0 / nd[:, 96:99]
    rr = lax.broadcasted_iota(jnp.int32, (3, 3 * SD), 0)
    rc = lax.broadcasted_iota(jnp.int32, (3, 3 * SD), 1)
    rep3 = (rc // SD == rr).astype(jnp.float32)
    rec_hi = rec.astype(jnp.bfloat16).astype(jnp.float32)
    rec_lo = rec - rec_hi
    rec96 = (jnp.dot(rec_hi, rep3, preferred_element_type=jnp.float32)
             + jnp.dot(rec_lo, rep3, preferred_element_type=jnp.float32))
    out_ref[:, UD:OUT_D] = nd[:, 0:3 * SD] * rec96


def _pool_tc(ufeat, ability_ids, trait_ids, status_ids,
             at_p, tt_p, st_p, aq, tq, sq):
    R = 4096
    grid = (B // R,)
    row_spec = lambda w: pl.BlockSpec((R, w), lambda i: (i, 0))
    full = lambda a: pl.BlockSpec(a.shape, lambda i, _n=a.ndim: (0,) * _n)
    return pl.pallas_call(
        _tc_pool_body,
        grid=grid,
        in_specs=[row_spec(UDP), row_spec(8), row_spec(8), row_spec(4),
                  full(at_p), full(tt_p), full(st_p),
                  full(aq), full(tq), full(sq)],
        out_specs=row_spec(OUT_D),
        out_shape=jax.ShapeDtypeStruct((B, OUT_D), jnp.float32),
    )(ufeat, ability_ids, trait_ids, status_ids,
      at_p, tt_p, st_p, aq, tq, sq)


def kernel(unit_ids, ability_ids, trait_ids, status_ids,
           unit_table, ability_table, trait_table, status_table,
           ability_query, trait_query, status_query):
    ufeat = _unit_gather_sc(unit_table, unit_ids)
    return _pool_tc(ufeat, ability_ids, trait_ids, status_ids,
                    ability_table, trait_table, status_table,
                    ability_query, trait_query, status_query)

# --- scband reference (transcript-rebuilt; emitter-appended) ---
"""Pipeline reference for scband-unit-encoding-16801912062531 (READ-ONLY COPY).

The authoritative reference and input builder live on the scoring server;
editing this copy changes nothing except your own understanding.
"""

import jax, jax.numpy as jnp
import numpy as np

B = 16384
VOCAB = 1000
UD = 64
SD = 32


def setup_inputs(seed: int = 0) -> dict:
    key = jax.random.key(seed)
    ks = jax.random.split(key, 11)
    unit_ids = jax.random.randint(ks[0], (B,), 0, VOCAB)
    ability_ids = jax.random.randint(ks[1], (B, 8), 0, 14)
    trait_ids = jax.random.randint(ks[2], (B, 8), 0, 16)
    status_ids = jax.random.randint(ks[3], (B, 4), 0, 4)
    unit_table = jax.random.normal(ks[4], (VOCAB, UD), dtype=jnp.float32)
    ability_table = jax.random.normal(ks[5], (14, SD), dtype=jnp.float32)
    trait_table = jax.random.normal(ks[6], (16, SD), dtype=jnp.float32)
    status_table = jax.random.normal(ks[7], (4, SD), dtype=jnp.float32)
    ability_query = jax.random.normal(ks[8], (SD,), dtype=jnp.float32)
    trait_query = jax.random.normal(ks[9], (SD,), dtype=jnp.float32)
    status_query = jax.random.normal(ks[10], (SD,), dtype=jnp.float32)
    return {
        "unit_ids": unit_ids,
        "ability_ids": ability_ids,
        "trait_ids": trait_ids,
        "status_ids": status_ids,
        "unit_table": unit_table,
        "ability_table": ability_table,
        "trait_table": trait_table,
        "status_table": status_table,
        "ability_query": ability_query,
        "trait_query": trait_query,
        "status_query": status_query,
    }


def _attend(table, ids, query):
    # embedding lookup: [B, L, D]
    emb = jnp.take(table, ids, axis=0)
    # attention scores against learnable query vector, softmax over the set dim
    scores = jnp.einsum("bld,d->bl", emb, query)
    weights = jax.nn.softmax(scores, axis=-1)
    # weighted combination -> [B, D]
    return jnp.einsum("bl,bld->bd", weights, emb)


def reference(unit_ids, ability_ids, trait_ids, status_ids,
              unit_table, ability_table, trait_table, status_table,
              ability_query, trait_query, status_query):
    # unit type embedding lookup (batched encode_unit core)
    unit_feat = jnp.take(unit_table, unit_ids, axis=0)
    # encode_abilities_traits_and_statuses, batched
    abilities_enc = _attend(ability_table, ability_ids, ability_query)
    traits_enc = _attend(trait_table, trait_ids, trait_query)
    statuses_enc = _attend(status_table, status_ids, status_query)
    return jnp.concatenate([unit_feat, abilities_enc, traits_enc, statuses_enc], axis=-1)

if __name__ == "__main__":
    import jax
    _d = setup_inputs()
    print(jax.jit(kernel)(*tuple(_d.values())))

</pallas_src>

<mosaic_0001>
#map = affine_map<(d0, d1) -> (0, 0)>
#map1 = affine_map<(d0, d1) -> (0)>
module attributes {stable_mosaic.version = 14 : i64} {
  func.func @_sc_gather_body(%arg0: i32, %arg1: i32, %arg2: memref<1000x128xf32, #tpu.memory_space<hbm>>, %arg3: memref<16384xi32, #tpu.memory_space<hbm>>, %arg4: memref<16384x128xf32, #tpu.memory_space<hbm>>, %arg5: memref<512xi32, #tpu.memory_space<vmem>>, %arg6: memref<512x128xf32, #tpu.memory_space<vmem>>, %arg7: memref<!tpu.dma_semaphore, #tpu.memory_space<semaphore_mem>>) attributes {dimension_semantics = [#tpu.dimension_semantics<core_parallel>, #tpu.dimension_semantics<subcore_parallel>], iteration_bounds = array<i64: 2, 16>, scalar_prefetch = 0 : i64, scratch_operands = 3 : i64, tpu.core_type = #tpu.core_type<sc_vector_subcore>, window_params = [{transform_indices = #map}, {transform_indices = #map1}, {transform_indices = #map}]} {
    %mul3A = arith.constant 2 : i32
    %mul3A_0 = arith.muli %arg1, %mul3A : i32
    %add3A = arith.addi %mul3A_0, %arg0 : i32
    %mul3A_1 = arith.constant 512 : i32
    %mul3A_2 = arith.muli %add3A, %mul3A_1 : i32
    "tpu.region"() ({
      %run_scoped3A = tpu.sem_alloc : memref<!tpu.dma_semaphore, #tpu.memory_space<semaphore_mem>>
      %dma_start3A_65 = tpu.memref_slice %arg3[%mul3A_2] : memref<16384xi32, #tpu.memory_space<hbm>> -> memref<512xi32, #tpu.memory_space<hbm>>
      %dma_start3A_66 = tpu.memref_slice %arg3[%mul3A_2] : memref<16384xi32, #tpu.memory_space<hbm>> -> memref<512xi32, #tpu.memory_space<hbm>>
      tpu.enqueue_dma source(%dma_start3A_66 : memref<512xi32, #tpu.memory_space<hbm>>) target(%arg5 : memref<512xi32, #tpu.memory_space<vmem>>) target_semaphore(%run_scoped3A : memref<!tpu.dma_semaphore, #tpu.memory_space<semaphore_mem>>)
      %dma_wait3A_67 = tpu.memref_slice %arg3[%mul3A_2] : memref<16384xi32, #tpu.memory_space<hbm>> -> memref<512xi32, #tpu.memory_space<hbm>>
      %dma_wait3A_68 = tpu.memref_slice %arg3[%mul3A_2] : memref<16384xi32, #tpu.memory_space<hbm>> -> memref<512xi32, #tpu.memory_space<hbm>>
      tpu.wait_dma2 semaphore(%run_scoped3A : memref<!tpu.dma_semaphore, #tpu.memory_space<semaphore_mem>>) src(%dma_wait3A_68 : memref<512xi32, #tpu.memory_space<hbm>>) dst(%arg5 : memref<512xi32, #tpu.memory_space<vmem>>)
      tpu.yield
    }) : () -> ()
    %dma_start3A = arith.constant 0 : i32
    %dma_start3A_3 = arith.constant 0 : i32
    %dma_start3A_4 = tpu.memref_slice %arg6[%dma_start3A, %dma_start3A_3] : memref<512x128xf32, #tpu.memory_space<vmem>> -> memref<128x128xf32, #tpu.memory_space<vmem>>
    %dma_start3A_5 = arith.constant 0 : i32
    %dma_start3A_6 = tpu.memref_slice %arg5[%dma_start3A_5] : memref<512xi32, #tpu.memory_space<vmem>> -> memref<128xi32, #tpu.memory_space<vmem>>
    %dma_start3A_7 = arith.constant 0 : i32
    %dma_start3A_8 = arith.constant 0 : i32
    %dma_start3A_9 = tpu.memref_slice %arg2[%dma_start3A_7, %dma_start3A_8] : memref<1000x128xf32, #tpu.memory_space<hbm>> -> memref<1000x128xf32, #tpu.memory_space<hbm>>
    tpu.enqueue_indirect_dma source(%dma_start3A_9 : memref<1000x128xf32, #tpu.memory_space<hbm>>) target(%dma_start3A_4 : memref<128x128xf32, #tpu.memory_space<vmem>>) offsets(%dma_start3A_6 : memref<128xi32, #tpu.memory_space<vmem>>) semaphore(%arg7 : memref<!tpu.dma_semaphore, #tpu.memory_space<semaphore_mem>>)
    %dma_start3A_10 = arith.constant 128 : i32
    %dma_start3A_11 = arith.constant 0 : i32
    %dma_start3A_12 = tpu.memref_slice %arg6[%dma_start3A_10, %dma_start3A_11] : memref<512x128xf32, #tpu.memory_space<vmem>> -> memref<128x128xf32, #tpu.memory_space<vmem>>
    %dma_start3A_13 = arith.constant 128 : i32
    %dma_start3A_14 = tpu.memref_slice %arg5[%dma_start3A_13] : memref<512xi32, #tpu.memory_space<vmem>> -> memref<128xi32, #tpu.memory_space<vmem>>
    %dma_start3A_15 = arith.constant 0 : i32
    %dma_start3A_16 = arith.constant 0 : i32
    %dma_start3A_17 = tpu.memref_slice %arg2[%dma_start3A_15, %dma_start3A_16] : memref<1000x128xf32, #tpu.memory_space<hbm>> -> memref<1000x128xf32, #tpu.memory_space<hbm>>
    tpu.enqueue_indirect_dma source(%dma_start3A_17 : memref<1000x128xf32, #tpu.memory_space<hbm>>) target(%dma_start3A_12 : memref<128x128xf32, #tpu.memory_space<vmem>>) offsets(%dma_start3A_14 : memref<128xi32, #tpu.memory_space<vmem>>) semaphore(%arg7 : memref<!tpu.dma_semaphore, #tpu.memory_space<semaphore_mem>>)
    %dma_start3A_18 = arith.constant 256 : i32
    %dma_start3A_19 = arith.constant 0 : i32
    %dma_start3A_20 = tpu.memref_slice %arg6[%dma_start3A_18, %dma_start3A_19] : memref<512x128xf32, #tpu.memory_space<vmem>> -> memref<128x128xf32, #tpu.memory_space<vmem>>
    %dma_start3A_21 = arith.constant 256 : i32
    %dma_start3A_22 = tpu.memref_slice %arg5[%dma_start3A_21] : memref<512xi32, #tpu.memory_space<vmem>> -> memref<128xi32, #tpu.memory_space<vmem>>
    %dma_start3A_23 = arith.constant 0 : i32
    %dma_start3A_24 = arith.constant 0 : i32
    %dma_start3A_25 = tpu.memref_slice %arg2[%dma_start3A_23, %dma_start3A_24] : memref<1000x128xf32, #tpu.memory_space<hbm>> -> memref<1000x128xf32, #tpu.memory_space<hbm>>
    tpu.enqueue_indirect_dma source(%dma_start3A_25 : memref<1000x128xf32, #tpu.memory_space<hbm>>) target(%dma_start3A_20 : memref<128x128xf32, #tpu.memory_space<vmem>>) offsets(%dma_start3A_22 : memref<128xi32, #tpu.memory_space<vmem>>) semaphore(%arg7 : memref<!tpu.dma_semaphore, #tpu.memory_space<semaphore_mem>>)
    %dma_start3A_26 = arith.constant 384 : i32
    %dma_start3A_27 = arith.constant 0 : i32
    %dma_start3A_28 = tpu.memref_slice %arg6[%dma_start3A_26, %dma_start3A_27] : memref<512x128xf32, #tpu.memory_space<vmem>> -> memref<128x128xf32, #tpu.memory_space<vmem>>
    %dma_start3A_29 = arith.constant 384 : i32
    %dma_start3A_30 = tpu.memref_slice %arg5[%dma_start3A_29] : memref<512xi32, #tpu.memory_space<vmem>> -> memref<128xi32, #tpu.memory_space<vmem>>
    %dma_start3A_31 = arith.constant 0 : i32
    %dma_start3A_32 = arith.constant 0 : i32
    %dma_start3A_33 = tpu.memref_slice %arg2[%dma_start3A_31, %dma_start3A_32] : memref<1000x128xf32, #tpu.memory_space<hbm>> -> memref<1000x128xf32, #tpu.memory_space<hbm>>
    tpu.enqueue_indirect_dma source(%dma_start3A_33 : memref<1000x128xf32, #tpu.memory_space<hbm>>) target(%dma_start3A_28 : memref<128x128xf32, #tpu.memory_space<vmem>>) offsets(%dma_start3A_30 : memref<128xi32, #tpu.memory_space<vmem>>) semaphore(%arg7 : memref<!tpu.dma_semaphore, #tpu.memory_space<semaphore_mem>>)
    %dma_wait3A = arith.constant 0 : i32
    %dma_wait3A_34 = arith.constant 0 : i32
    %dma_wait3A_35 = tpu.memref_slice %arg6[%dma_wait3A, %dma_wait3A_34] : memref<512x128xf32, #tpu.memory_space<vmem>> -> memref<128x128xf32, #tpu.memory_space<vmem>>
    %dma_wait3A_36 = arith.constant 0 : i32
    %dma_wait3A_37 = tpu.memref_slice %arg5[%dma_wait3A_36] : memref<512xi32, #tpu.memory_space<vmem>> -> memref<128xi32, #tpu.memory_space<vmem>>
    %dma_wait3A_38 = arith.constant 0 : i32
    %dma_wait3A_39 = arith.constant 0 : i32
    %dma_wait3A_40 = tpu.memref_slice %arg2[%dma_wait3A_38, %dma_wait3A_39] : memref<1000x128xf32, #tpu.memory_space<hbm>> -> memref<1000x128xf32, #tpu.memory_space<hbm>>
    tpu.wait_indirect_dma semaphore(%arg7 : memref<!tpu.dma_semaphore, #tpu.memory_space<semaphore_mem>>) src(%dma_wait3A_40 : memref<1000x128xf32, #tpu.memory_space<hbm>>) dst(%dma_wait3A_35 : memref<128x128xf32, #tpu.memory_space<vmem>>)
    %dma_wait3A_41 = arith.constant 128 : i32
    %dma_wait3A_42 = arith.constant 0 : i32
    %dma_wait3A_43 = tpu.memref_slice %arg6[%dma_wait3A_41, %dma_wait3A_42] : memref<512x128xf32, #tpu.memory_space<vmem>> -> memref<128x128xf32, #tpu.memory_space<vmem>>
    %dma_wait3A_44 = arith.constant 128 : i32
    %dma_wait3A_45 = tpu.memref_slice %arg5[%dma_wait3A_44] : memref<512xi32, #tpu.memory_space<vmem>> -> memref<128xi32, #tpu.memory_space<vmem>>
    %dma_wait3A_46 = arith.constant 0 : i32
    %dma_wait3A_47 = arith.constant 0 : i32
    %dma_wait3A_48 = tpu.memref_slice %arg2[%dma_wait3A_46, %dma_wait3A_47] : memref<1000x128xf32, #tpu.memory_space<hbm>> -> memref<1000x128xf32, #tpu.memory_space<hbm>>
    tpu.wait_indirect_dma semaphore(%arg7 : memref<!tpu.dma_semaphore, #tpu.memory_space<semaphore_mem>>) src(%dma_wait3A_48 : memref<1000x128xf32, #tpu.memory_space<hbm>>) dst(%dma_wait3A_43 : memref<128x128xf32, #tpu.memory_space<vmem>>)
    %dma_wait3A_49 = arith.constant 256 : i32
    %dma_wait3A_50 = arith.constant 0 : i32
    %dma_wait3A_51 = tpu.memref_slice %arg6[%dma_wait3A_49, %dma_wait3A_50] : memref<512x128xf32, #tpu.memory_space<vmem>> -> memref<128x128xf32, #tpu.memory_space<vmem>>
    %dma_wait3A_52 = arith.constant 256 : i32
    %dma_wait3A_53 = tpu.memref_slice %arg5[%dma_wait3A_52] : memref<512xi32, #tpu.memory_space<vmem>> -> memref<128xi32, #tpu.memory_space<vmem>>
    %dma_wait3A_54 = arith.constant 0 : i32
    %dma_wait3A_55 = arith.constant 0 : i32
    %dma_wait3A_56 = tpu.memref_slice %arg2[%dma_wait3A_54, %dma_wait3A_55] : memref<1000x128xf32, #tpu.memory_space<hbm>> -> memref<1000x128xf32, #tpu.memory_space<hbm>>
    tpu.wait_indirect_dma semaphore(%arg7 : memref<!tpu.dma_semaphore, #tpu.memory_space<semaphore_mem>>) src(%dma_wait3A_56 : memref<1000x128xf32, #tpu.memory_space<hbm>>) dst(%dma_wait3A_51 : memref<128x128xf32, #tpu.memory_space<vmem>>)
    %dma_wait3A_57 = arith.constant 384 : i32
    %dma_wait3A_58 = arith.constant 0 : i32
    %dma_wait3A_59 = tpu.memref_slice %arg6[%dma_wait3A_57, %dma_wait3A_58] : memref<512x128xf32, #tpu.memory_space<vmem>> -> memref<128x128xf32, #tpu.memory_space<vmem>>
    %dma_wait3A_60 = arith.constant 384 : i32
    %dma_wait3A_61 = tpu.memref_slice %arg5[%dma_wait3A_60] : memref<512xi32, #tpu.memory_space<vmem>> -> memref<128xi32, #tpu.memory_space<vmem>>
    %dma_wait3A_62 = arith.constant 0 : i32
    %dma_wait3A_63 = arith.constant 0 : i32
    %dma_wait3A_64 = tpu.memref_slice %arg2[%dma_wait3A_62, %dma_wait3A_63] : memref<1000x128xf32, #tpu.memory_space<hbm>> -> memref<1000x128xf32, #tpu.memory_space<hbm>>
    tpu.wait_indirect_dma semaphore(%arg7 : memref<!tpu.dma_semaphore, #tpu.memory_space<semaphore_mem>>) src(%dma_wait3A_64 : memref<1000x128xf32, #tpu.memory_space<hbm>>) dst(%dma_wait3A_59 : memref<128x128xf32, #tpu.memory_space<vmem>>)
    "tpu.region"() ({
      %run_scoped3A = tpu.sem_alloc : memref<!tpu.dma_semaphore, #tpu.memory_space<semaphore_mem>>
      %dma_start3A_65 = arith.constant 0 : i32
      %dma_start3A_66 = tpu.memref_slice %arg4[%mul3A_2, %dma_start3A_65] : memref<16384x128xf32, #tpu.memory_space<hbm>> -> memref<512x128xf32, #tpu.memory_space<hbm>>
      %dma_start3A_67 = arith.constant 0 : i32
      %dma_start3A_68 = tpu.memref_slice %arg4[%mul3A_2, %dma_start3A_67] : memref<16384x128xf32, #tpu.memory_space<hbm>> -> memref<512x128xf32, #tpu.memory_space<hbm>>
      tpu.enqueue_dma source(%arg6 : memref<512x128xf32, #tpu.memory_space<vmem>>) target(%dma_start3A_68 : memref<512x128xf32, #tpu.memory_space<hbm>>) target_semaphore(%run_scoped3A : memref<!tpu.dma_semaphore, #tpu.memory_space<semaphore_mem>>)
      %dma_wait3A_69 = arith.constant 0 : i32
      %dma_wait3A_70 = tpu.memref_slice %arg4[%mul3A_2, %dma_wait3A_69] : memref<16384x128xf32, #tpu.memory_space<hbm>> -> memref<512x128xf32, #tpu.memory_space<hbm>>
      %dma_wait3A_71 = arith.constant 0 : i32
      %dma_wait3A_72 = tpu.memref_slice %arg4[%mul3A_2, %dma_wait3A_71] : memref<16384x128xf32, #tpu.memory_space<hbm>> -> memref<512x128xf32, #tpu.memory_space<hbm>>
      tpu.wait_dma2 semaphore(%run_scoped3A : memref<!tpu.dma_semaphore, #tpu.memory_space<semaphore_mem>>) src(%arg6 : memref<512x128xf32, #tpu.memory_space<vmem>>) dst(%dma_wait3A_72 : memref<512x128xf32, #tpu.memory_space<hbm>>)
      tpu.yield
    }) : () -> ()
    return
  }
}

module attributes {stable_mosaic.version = 14 : i64} {
  func.func @_tc_pool_body(%arg0: i32, %arg1: memref<4096x128xf32, #tpu.memory_space<vmem>>, %arg2: memref<4096x8xi32, #tpu.memory_space<vmem>>, %arg3: memref<4096x8xi32, #tpu.memory_space<vmem>>, %arg4: memref<4096x4xi32, #tpu.memory_space<vmem>>, %arg5: memref<14x32xf32, #tpu.memory_space<vmem>>, %arg6: memref<16x32xf32, #tpu.memory_space<vmem>>, %arg7: memref<4x32xf32, #tpu.memory_space<vmem>>, %arg8: memref<32xf32, #tpu.memory_space<vmem>>, %arg9: memref<32xf32, #tpu.memory_space<vmem>>, %arg10: memref<32xf32, #tpu.memory_space<vmem>>, %arg11: memref<4096x160xf32, #tpu.memory_space<vmem>>) attributes {dimension_semantics = [#tpu.dimension_semantics<arbitrary>], iteration_bounds = array<i64: 4>, scalar_prefetch = 0 : i64, scratch_operands = 0 : i64, tpu.core_type = #tpu.core_type<tc>, window_params = [{transform_indices = @transform_0, window_bounds = array<i64: 4096, 128>}, {transform_indices = @transform_1, window_bounds = array<i64: 4096, 8>}, {transform_indices = @transform_2, window_bounds = array<i64: 4096, 8>}, {transform_indices = @transform_3, window_bounds = array<i64: 4096, 4>}, {pipeline_mode = #tpu.pipeline_mode<synchronous>, transform_indices = @transform_4, window_bounds = array<i64: 14, 32>}, {pipeline_mode = #tpu.pipeline_mode<synchronous>, transform_indices = @transform_5, window_bounds = array<i64: 16, 32>}, {pipeline_mode = #tpu.pipeline_mode<synchronous>, transform_indices = @transform_6, window_bounds = array<i64: 4, 32>}, {pipeline_mode = #tpu.pipeline_mode<synchronous>, transform_indices = @transform_7, window_bounds = array<i64: 32>}, {pipeline_mode = #tpu.pipeline_mode<synchronous>, transform_indices = @transform_8, window_bounds = array<i64: 32>}, {pipeline_mode = #tpu.pipeline_mode<synchronous>, transform_indices = @transform_9, window_bounds = array<i64: 32>}, {transform_indices = @transform_10, window_bounds = array<i64: 4096, 160>}]} {
    %get3A = arith.constant 0 : index
    %get3A_0 = arith.constant 0 : index
    %get3A_1 = vector.load %arg1[%get3A, %get3A_0] : memref<4096x128xf32, #tpu.memory_space<vmem>>, vector<4096x64xf32>
    %swap3A = arith.constant 0 : index
    %swap3A_2 = arith.constant 0 : index
    %swap3A_3 = vector.load %arg11[%swap3A, %swap3A_2] : memref<4096x160xf32, #tpu.memory_space<vmem>>, vector<4096x64xf32>
    tpu.vector_store %arg11[%swap3A, %swap3A_2], %get3A_1 {strides = array<i32>} : memref<4096x160xf32, #tpu.memory_space<vmem>>, vector<4096x64xf32>,
    %get3A_4 = arith.constant 0 : index
    %get3A_5 = arith.constant 0 : index
    %get3A_6 = vector.load %arg5[%get3A_4, %get3A_5] : memref<14x32xf32, #tpu.memory_space<vmem>>, vector<14x32xf32>
    %get3A_7 = arith.constant 0 : index
    %get3A_8 = vector.load %arg8[%get3A_7] : memref<32xf32, #tpu.memory_space<vmem>>, vector<32xf32>
    %broadcast_in_dim3A = vector.shape_cast %get3A_8 : vector<32xf32> to vector<1x32xf32>
    %mul3A = vector.broadcast %broadcast_in_dim3A : vector<1x32xf32> to vector<14x32xf32>
    %mul3A_9 = arith.mulf %get3A_6, %mul3A : vector<14x32xf32>
    %reduce_sum3A = arith.constant dense<0.000000e+00> : vector<14xf32>
    %reduce_sum3A_10 = vector.multi_reduction <add>, %mul3A_9, %reduce_sum3A [1] : vector<14x32xf32> to vector<14xf32>
    %broadcast_in_dim3A_11 = vector.shape_cast %reduce_sum3A_10 : vector<14xf32> to vector<14x1xf32>
    %reduce_max3A = vector.shape_cast %broadcast_in_dim3A_11 : vector<14x1xf32> to vector<1x14x1xf32>
    %reduce_max3A_12 = arith.constant dense<0xFF800000> : vector<1xf32>
    %reduce_max3A_13 = vector.multi_reduction <maximumf>, %reduce_max3A, %reduce_max3A_12 [1, 2] : vector<1x14x1xf32> to vector<1xf32>
    %reduce_max3A_14 = vector.shape_cast %reduce_max3A_13 : vector<1xf32> to vector<1x1x1xf32>
    %reduce_max3A_15 = vector.extract %reduce_max3A_14[0, 0, 0] : f32 from vector<1x1x1xf32>
    %sub3A = vector.broadcast %reduce_max3A_15 : f32 to vector<14x1xf32>
    %sub3A_16 = arith.subf %broadcast_in_dim3A_11, %sub3A : vector<14x1xf32>
    %exp3A = math.exp %sub3A_16 : vector<14x1xf32>
    %mul3A_17 = vector.broadcast %exp3A : vector<14x1xf32> to vector<14x32xf32>
    %mul3A_18 = arith.mulf %get3A_6, %mul3A_17 : vector<14x32xf32>
    %broadcast_in_dim3A_19 = arith.constant 0.000000e+00 : f32
    %broadcast_in_dim3A_20 = vector.broadcast %broadcast_in_dim3A_19 : f32 to vector<14x64xf32>
    %broadcast_in_dim3A_21 = arith.constant 0.000000e+00 : f32
    %broadcast_in_dim3A_22 = vector.broadcast %broadcast_in_dim3A_21 : f32 to vector<14x3xf32>
    %concatenate3A = tpu.concatenate %mul3A_18, %broadcast_in_dim3A_20, %exp3A, %broadcast_in_dim3A_22 in 1 : vector<14x32xf32>, vector<14x64xf32>, vector<14x1xf32>, vector<14x3xf32> -> vector<14x100xf32>
    %broadcast_in_dim3A_23 = arith.constant 0.000000e+00 : f32
    %broadcast_in_dim3A_24 = vector.broadcast %broadcast_in_dim3A_23 : f32 to vector<2x100xf32>
    %concatenate3A_25 = tpu.concatenate %concatenate3A, %broadcast_in_dim3A_24 in 0 : vector<14x100xf32>, vector<2x100xf32> -> vector<16x100xf32>
    %get3A_26 = arith.constant 0 : index
    %get3A_27 = arith.constant 0 : index
    %get3A_28 = vector.load %arg6[%get3A_26, %get3A_27] : memref<16x32xf32, #tpu.memory_space<vmem>>, vector<16x32xf32>
    %get3A_29 = arith.constant 0 : index
    %get3A_30 = vector.load %arg9[%get3A_29] : memref<32xf32, #tpu.memory_space<vmem>>, vector<32xf32>
    %broadcast_in_dim3A_31 = vector.shape_cast %get3A_30 : vector<32xf32> to vector<1x32xf32>
    %mul3A_32 = vector.broadcast %broadcast_in_dim3A_31 : vector<1x32xf32> to vector<16x32xf32>
    %mul3A_33 = arith.mulf %get3A_28, %mul3A_32 : vector<16x32xf32>
    %reduce_sum3A_34 = arith.constant dense<0.000000e+00> : vector<16xf32>
    %reduce_sum3A_35 = vector.multi_reduction <add>, %mul3A_33, %reduce_sum3A_34 [1] : vector<16x32xf32> to vector<16xf32>
    %broadcast_in_dim3A_36 = vector.shape_cast %reduce_sum3A_35 : vector<16xf32> to vector<16x1xf32>
    %reduce_max3A_37 = vector.shape_cast %broadcast_in_dim3A_36 : vector<16x1xf32> to vector<1x16x1xf32>
    %reduce_max3A_38 = arith.constant dense<0xFF800000> : vector<1xf32>
    %reduce_max3A_39 = vector.multi_reduction <maximumf>, %reduce_max3A_37, %reduce_max3A_38 [1, 2] : vector<1x16x1xf32> to vector<1xf32>
    %reduce_max3A_40 = vector.shape_cast %reduce_max3A_39 : vector<1xf32> to vector<1x1x1xf32>
    %reduce_max3A_41 = vector.extract %reduce_max3A_40[0, 0, 0] : f32 from vector<1x1x1xf32>
    %sub3A_42 = vector.broadcast %reduce_max3A_41 : f32 to vector<16x1xf32>
    %sub3A_43 = arith.subf %broadcast_in_dim3A_36, %sub3A_42 : vector<16x1xf32>
    %exp3A_44 = math.exp %sub3A_43 : vector<16x1xf32>
    %mul3A_45 = vector.broadcast %exp3A_44 : vector<16x1xf32> to vector<16x32xf32>
    %mul3A_46 = arith.mulf %get3A_28, %mul3A_45 : vector<16x32xf32>
    %broadcast_in_dim3A_47 = arith.constant 0.000000e+00 : f32
    %broadcast_in_dim3A_48 = vector.broadcast %broadcast_in_dim3A_47 : f32 to vector<16x32xf32>
    %broadcast_in_dim3A_49 = arith.constant 0.000000e+00 : f32
    %broadcast_in_dim3A_50 = vector.broadcast %broadcast_in_dim3A_49 : f32 to vector<16x32xf32>
    %broadcast_in_dim3A_51 = arith.constant 0.000000e+00 : f32
    %broadcast_in_dim3A_52 = vector.broadcast %broadcast_in_dim3A_51 : f32 to vector<16x1xf32>
    %broadcast_in_dim3A_53 = arith.constant 0.000000e+00 : f32
    %broadcast_in_dim3A_54 = vector.broadcast %broadcast_in_dim3A_53 : f32 to vector<16x2xf32>
    %concatenate3A_55 = tpu.concatenate %broadcast_in_dim3A_48, %mul3A_46, %broadcast_in_dim3A_50, %broadcast_in_dim3A_52, %exp3A_44, %broadcast_in_dim3A_54 in 1 : vector<16x32xf32>, vector<16x32xf32>, vector<16x32xf32>, vector<16x1xf32>, vector<16x1xf32>, vector<16x2xf32> -> vector<16x100xf32>
    %get3A_56 = arith.constant 0 : index
    %get3A_57 = arith.constant 0 : index
    %get3A_58 = vector.load %arg7[%get3A_56, %get3A_57] : memref<4x32xf32, #tpu.memory_space<vmem>>, vector<4x32xf32>
    %get3A_59 = arith.constant 0 : index
    %get3A_60 = vector.load %arg10[%get3A_59] : memref<32xf32, #tpu.memory_space<vmem>>, vector<32xf32>
    %broadcast_in_dim3A_61 = vector.shape_cast %get3A_60 : vector<32xf32> to vector<1x32xf32>
    %mul3A_62 = vector.broadcast %broadcast_in_dim3A_61 : vector<1x32xf32> to vector<4x32xf32>
    %mul3A_63 = arith.mulf %get3A_58, %mul3A_62 : vector<4x32xf32>
    %reduce_sum3A_64 = arith.constant dense<0.000000e+00> : vector<4xf32>
    %reduce_sum3A_65 = vector.multi_reduction <add>, %mul3A_63, %reduce_sum3A_64 [1] : vector<4x32xf32> to vector<4xf32>
    %broadcast_in_dim3A_66 = vector.shape_cast %reduce_sum3A_65 : vector<4xf32> to vector<4x1xf32>
    %reduce_max3A_67 = vector.shape_cast %broadcast_in_dim3A_66 : vector<4x1xf32> to vector<1x4x1xf32>
    %reduce_max3A_68 = arith.constant dense<0xFF800000> : vector<1xf32>
    %reduce_max3A_69 = vector.multi_reduction <maximumf>, %reduce_max3A_67, %reduce_max3A_68 [1, 2] : vector<1x4x1xf32> to vector<1xf32>
    %reduce_max3A_70 = vector.shape_cast %reduce_max3A_69 : vector<1xf32> to vector<1x1x1xf32>
    %reduce_max3A_71 = vector.extract %reduce_max3A_70[0, 0, 0] : f32 from vector<1x1x1xf32>
    %sub3A_72 = vector.broadcast %reduce_max3A_71 : f32 to vector<4x1xf32>
    %sub3A_73 = arith.subf %broadcast_in_dim3A_66, %sub3A_72 : vector<4x1xf32>
    %exp3A_74 = math.exp %sub3A_73 : vector<4x1xf32>
    %mul3A_75 = vector.broadcast %exp3A_74 : vector<4x1xf32> to vector<4x32xf32>
    %mul3A_76 = arith.mulf %get3A_58, %mul3A_75 : vector<4x32xf32>
    %broadcast_in_dim3A_77 = arith.constant 0.000000e+00 : f32
    %broadcast_in_dim3A_78 = vector.broadcast %broadcast_in_dim3A_77 : f32 to vector<4x64xf32>
    %broadcast_in_dim3A_79 = arith.constant 0.000000e+00 : f32
    %broadcast_in_dim3A_80 = vector.broadcast %broadcast_in_dim3A_79 : f32 to vector<4x2xf32>
    %broadcast_in_dim3A_81 = arith.constant 0.000000e+00 : f32
    %broadcast_in_dim3A_82 = vector.broadcast %broadcast_in_dim3A_81 : f32 to vector<4x1xf32>
    %concatenate3A_83 = tpu.concatenate %broadcast_in_dim3A_78, %mul3A_76, %broadcast_in_dim3A_80, %exp3A_74, %broadcast_in_dim3A_82 in 1 : vector<4x64xf32>, vector<4x32xf32>, vector<4x2xf32>, vector<4x1xf32>, vector<4x1xf32> -> vector<4x100xf32>
    %broadcast_in_dim3A_84 = arith.constant 0.000000e+00 : f32
    %broadcast_in_dim3A_85 = vector.broadcast %broadcast_in_dim3A_84 : f32 to vector<12x100xf32>
    %concatenate3A_86 = tpu.concatenate %concatenate3A_83, %broadcast_in_dim3A_85 in 0 : vector<4x100xf32>, vector<12x100xf32> -> vector<16x100xf32>
    %concatenate3A_87 = tpu.concatenate %concatenate3A_25, %concatenate3A_55, %concatenate3A_86 in 0 : vector<16x100xf32>, vector<16x100xf32>, vector<16x100xf32> -> vector<48x100xf32>
    %iota3A = tpu.iota {dimensions = array<i32: 0>} : vector<256x48xi32>
    %lt3A = arith.constant 112 : i32
    %lt3A_88 = vector.broadcast %lt3A : i32 to vector<256x48xi32>
    %lt3A_89 = arith.cmpi slt, %iota3A, %lt3A_88 : vector<256x48xi32>
    %lt3A_90 = arith.constant 240 : i32
    %lt3A_91 = vector.broadcast %lt3A_90 : i32 to vector<256x48xi32>
    %lt3A_92 = arith.cmpi slt, %iota3A, %lt3A_91 : vector<256x48xi32>
    %jit3A = arith.constant 1 : i32
    %jit3A_93 = arith.constant 2 : i32
    %broadcast_in_dim3A_94 = vector.broadcast %jit3A : i32 to vector<256x48xi32>
    %broadcast_in_dim3A_95 = vector.broadcast %jit3A_93 : i32 to vector<256x48xi32>
    %select_n3A = arith.select %lt3A_92, %broadcast_in_dim3A_94, %broadcast_in_dim3A_95 : vector<256x48xi1>, vector<256x48xi32>
    %jit3A_96 = arith.constant 0 : i32
    %broadcast_in_dim3A_97 = vector.broadcast %jit3A_96 : i32 to vector<256x48xi32>
    %select_n3A_98 = arith.select %lt3A_89, %broadcast_in_dim3A_97, %select_n3A : vector<256x48xi1>, vector<256x48xi32>
    %lt3A_99 = arith.constant 112 : i32
    %lt3A_100 = vector.broadcast %lt3A_99 : i32 to vector<256x48xi32>
    %lt3A_101 = arith.cmpi slt, %iota3A, %lt3A_100 : vector<256x48xi32>
    %jit3A_102 = arith.constant 14 : i32
    %eq3A = arith.constant 0 : i32
    %eq3A_103 = arith.cmpi eq, %jit3A_102, %eq3A : i32
    %jit3A_104 = arith.constant 1 : i32
    %select_n3A_105 = arith.select %eq3A_103, %jit3A_104, %jit3A_102 : i32
    %rem3A = vector.broadcast %select_n3A_105 : i32 to vector<256x48xi32>
    %rem3A_106 = arith.remsi %iota3A, %rem3A : vector<256x48xi32>
    %ne3A = arith.constant 0 : i32
    %ne3A_107 = vector.broadcast %ne3A : i32 to vector<256x48xi32>
    %ne3A_108 = arith.cmpi ne, %rem3A_106, %ne3A_107 : vector<256x48xi32>
    %lt3A_109 = arith.constant 0 : i32
    %lt3A_110 = vector.broadcast %lt3A_109 : i32 to vector<256x48xi32>
    %lt3A_111 = arith.cmpi slt, %rem3A_106, %lt3A_110 : vector<256x48xi32>
    %lt3A_112 = arith.constant 0 : i32
    %lt3A_113 = arith.cmpi slt, %select_n3A_105, %lt3A_112 : i32
    %ne3A_114 = vector.broadcast %lt3A_113 : i1 to vector<256x48xi1>
    %ne3A_115 = vector.broadcast %ne3A_114 : vector<256x48xi1> to vector<256x48xi1>
    %ne3A_116 = arith.xori %lt3A_111, %ne3A_115 : vector<256x48xi1>
    %and3A = arith.andi %ne3A_116, %ne3A_108 : vector<256x48xi1>
    %add3A = vector.broadcast %select_n3A_105 : i32 to vector<256x48xi32>
    %add3A_117 = arith.addi %rem3A_106, %add3A : vector<256x48xi32>
    %select_n3A_118 = arith.select %and3A, %add3A_117, %rem3A_106 : vector<256x48xi1>, vector<256x48xi32>
    %lt3A_119 = arith.constant 240 : i32
    %lt3A_120 = vector.broadcast %lt3A_119 : i32 to vector<256x48xi32>
    %lt3A_121 = arith.cmpi slt, %iota3A, %lt3A_120 : vector<256x48xi32>
    %sub3A_122 = arith.constant 112 : i32
    %sub3A_123 = vector.broadcast %sub3A_122 : i32 to vector<256x48xi32>
    %sub3A_124 = arith.subi %iota3A, %sub3A_123 : vector<256x48xi32>
    %jit3A_125 = arith.constant 16 : i32
    %eq3A_126 = arith.constant 0 : i32
    %eq3A_127 = arith.cmpi eq, %jit3A_125, %eq3A_126 : i32
    %jit3A_128 = arith.constant 1 : i32
    %select_n3A_129 = arith.select %eq3A_127, %jit3A_128, %jit3A_125 : i32
    %rem3A_130 = vector.broadcast %select_n3A_129 : i32 to vector<256x48xi32>
    %rem3A_131 = arith.remsi %sub3A_124, %rem3A_130 : vector<256x48xi32>
    %ne3A_132 = arith.constant 0 : i32
    %ne3A_133 = vector.broadcast %ne3A_132 : i32 to vector<256x48xi32>
    %ne3A_134 = arith.cmpi ne, %rem3A_131, %ne3A_133 : vector<256x48xi32>
    %lt3A_135 = arith.constant 0 : i32
    %lt3A_136 = vector.broadcast %lt3A_135 : i32 to vector<256x48xi32>
    %lt3A_137 = arith.cmpi slt, %rem3A_131, %lt3A_136 : vector<256x48xi32>
    %lt3A_138 = arith.constant 0 : i32
    %lt3A_139 = arith.cmpi slt, %select_n3A_129, %lt3A_138 : i32
    %ne3A_140 = vector.broadcast %lt3A_139 : i1 to vector<256x48xi1>
    %ne3A_141 = vector.broadcast %ne3A_140 : vector<256x48xi1> to vector<256x48xi1>
    %ne3A_142 = arith.xori %lt3A_137, %ne3A_141 : vector<256x48xi1>
    %and3A_143 = arith.andi %ne3A_142, %ne3A_134 : vector<256x48xi1>
    %add3A_144 = vector.broadcast %select_n3A_129 : i32 to vector<256x48xi32>
    %add3A_145 = arith.addi %rem3A_131, %add3A_144 : vector<256x48xi32>
    %select_n3A_146 = arith.select %and3A_143, %add3A_145, %rem3A_131 : vector<256x48xi1>, vector<256x48xi32>
    %sub3A_147 = arith.constant 240 : i32
    %sub3A_148 = vector.broadcast %sub3A_147 : i32 to vector<256x48xi32>
    %sub3A_149 = arith.subi %iota3A, %sub3A_148 : vector<256x48xi32>
    %jit3A_150 = arith.constant 4 : i32
    %eq3A_151 = arith.constant 0 : i32
    %eq3A_152 = arith.cmpi eq, %jit3A_150, %eq3A_151 : i32
    %jit3A_153 = arith.constant 1 : i32
    %select_n3A_154 = arith.select %eq3A_152, %jit3A_153, %jit3A_150 : i32
    %rem3A_155 = vector.broadcast %select_n3A_154 : i32 to vector<256x48xi32>
    %rem3A_156 = arith.remsi %sub3A_149, %rem3A_155 : vector<256x48xi32>
    %ne3A_157 = arith.constant 0 : i32
    %ne3A_158 = vector.broadcast %ne3A_157 : i32 to vector<256x48xi32>
    %ne3A_159 = arith.cmpi ne, %rem3A_156, %ne3A_158 : vector<256x48xi32>
    %lt3A_160 = arith.constant 0 : i32
    %lt3A_161 = vector.broadcast %lt3A_160 : i32 to vector<256x48xi32>
    %lt3A_162 = arith.cmpi slt, %rem3A_156, %lt3A_161 : vector<256x48xi32>
    %lt3A_163 = arith.constant 0 : i32
    %lt3A_164 = arith.cmpi slt, %select_n3A_154, %lt3A_163 : i32
    %ne3A_165 = vector.broadcast %lt3A_164 : i1 to vector<256x48xi1>
    %ne3A_166 = vector.broadcast %ne3A_165 : vector<256x48xi1> to vector<256x48xi1>
    %ne3A_167 = arith.xori %lt3A_162, %ne3A_166 : vector<256x48xi1>
    %and3A_168 = arith.andi %ne3A_167, %ne3A_159 : vector<256x48xi1>
    %add3A_169 = vector.broadcast %select_n3A_154 : i32 to vector<256x48xi32>
    %add3A_170 = arith.addi %rem3A_156, %add3A_169 : vector<256x48xi32>
    %select_n3A_171 = arith.select %and3A_168, %add3A_170, %rem3A_156 : vector<256x48xi1>, vector<256x48xi32>
    %select_n3A_172 = arith.select %lt3A_121, %select_n3A_146, %select_n3A_171 : vector<256x48xi1>, vector<256x48xi32>
    %select_n3A_173 = arith.select %lt3A_101, %select_n3A_118, %select_n3A_172 : vector<256x48xi1>, vector<256x48xi32>
    %iota3A_174 = tpu.iota {dimensions = array<i32: 1>} : vector<256x48xi32>
    %mul3A_175 = arith.constant 16 : i32
    %mul3A_176 = vector.broadcast %mul3A_175 : i32 to vector<256x48xi32>
    %mul3A_177 = arith.muli %select_n3A_98, %mul3A_176 : vector<256x48xi32>
    %add3A_178 = arith.addi %mul3A_177, %select_n3A_173 : vector<256x48xi32>
    %eq3A_179 = arith.cmpi eq, %iota3A_174, %add3A_178 : vector<256x48xi32>
    %convert_element_type3A = arith.extui %eq3A_179 : vector<256x48xi1> to vector<256x48xi32>
    %convert_element_type3A_180 = arith.sitofp %convert_element_type3A : vector<256x48xi32> to vector<256x48xf32>
    %dot_general3A = arith.constant dense<0.000000e+00> : vector<256x100xf32>
    %dot_general3A_181 = tpu.matmul %convert_element_type3A_180, %concatenate3A_87, %dot_general3A {dimension_numbers = #tpu.dot_dimension_numbers<[1], [0], [0], [1], [0, 0, 1, 1], [], []>, precision = #tpu.contract_precision<fp32>, transpose_lhs_hint = false} : vector<256x48xf32>, vector<48x100xf32>, vector<256x100xf32> -> vector<256x100xf32>
    %get3A_182 = arith.constant 0 : index
    %get3A_183 = arith.constant 0 : index
    %get3A_184 = vector.load %arg2[%get3A_182, %get3A_183] : memref<4096x8xi32, #tpu.memory_space<vmem>>, vector<4096x8xi32>
    %convert_element_type3A_185 = arith.sitofp %get3A_184 : vector<4096x8xi32> to vector<4096x8xf32>
    %iota3A_186 = tpu.iota {dimensions = array<i32: 0>} : vector<8x256xi32>
    %iota3A_187 = tpu.iota {dimensions = array<i32: 1>} : vector<8x256xi32>
    %ge3A = arith.constant 0 : i32
    %ge3A_188 = vector.broadcast %ge3A : i32 to vector<8x256xi32>
    %ge3A_189 = arith.cmpi sge, %iota3A_187, %ge3A_188 : vector<8x256xi32>
    %lt3A_190 = arith.constant 112 : i32
    %lt3A_191 = vector.broadcast %lt3A_190 : i32 to vector<8x256xi32>
    %lt3A_192 = arith.cmpi slt, %iota3A_187, %lt3A_191 : vector<8x256xi32>
    %and3A_193 = arith.andi %ge3A_189, %lt3A_192 : vector<8x256xi1>
    %sub3A_194 = arith.constant 0 : i32
    %sub3A_195 = vector.broadcast %sub3A_194 : i32 to vector<8x256xi32>
    %sub3A_196 = arith.subi %iota3A_187, %sub3A_195 : vector<8x256xi32>
    %jit3A_197 = arith.constant 14 : i32
    %div3A = vector.broadcast %jit3A_197 : i32 to vector<8x256xi32>
    %div3A_198 = arith.divsi %sub3A_196, %div3A : vector<8x256xi32>
    %sign3A = arith.constant 0 : i32
    %sign3A_199 = vector.broadcast %sign3A : i32 to vector<8x256xi32>
    %sign3A_200 = arith.cmpi sgt, %sub3A_196, %sign3A_199 : vector<8x256xi32>
    %sign3A_201 = arith.extui %sign3A_200 : vector<8x256xi1> to vector<8x256xi32>
    %sign3A_202 = arith.constant 0 : i32
    %sign3A_203 = vector.broadcast %sign3A_202 : i32 to vector<8x256xi32>
    %sign3A_204 = arith.cmpi slt, %sub3A_196, %sign3A_203 : vector<8x256xi32>
    %sign3A_205 = arith.extui %sign3A_204 : vector<8x256xi1> to vector<8x256xi32>
    %sign3A_206 = arith.subi %sign3A_201, %sign3A_205 : vector<8x256xi32>
    %sign3A_207 = arith.constant 0 : i32
    %sign3A_208 = arith.cmpi sgt, %jit3A_197, %sign3A_207 : i32
    %sign3A_209 = arith.extui %sign3A_208 : i1 to i32
    %sign3A_210 = arith.constant 0 : i32
    %sign3A_211 = arith.cmpi slt, %jit3A_197, %sign3A_210 : i32
    %sign3A_212 = arith.extui %sign3A_211 : i1 to i32
    %sign3A_213 = arith.subi %sign3A_209, %sign3A_212 : i32
    %ne3A_214 = vector.broadcast %sign3A_213 : i32 to vector<8x256xi32>
    %ne3A_215 = arith.cmpi ne, %sign3A_206, %ne3A_214 : vector<8x256xi32>
    %rem3A_216 = vector.broadcast %jit3A_197 : i32 to vector<8x256xi32>
    %rem3A_217 = arith.remsi %sub3A_196, %rem3A_216 : vector<8x256xi32>
    %ne3A_218 = arith.constant 0 : i32
    %ne3A_219 = vector.broadcast %ne3A_218 : i32 to vector<8x256xi32>
    %ne3A_220 = arith.cmpi ne, %rem3A_217, %ne3A_219 : vector<8x256xi32>
    %and3A_221 = arith.andi %ne3A_215, %ne3A_220 : vector<8x256xi1>
    %sub3A_222 = arith.constant 1 : i32
    %sub3A_223 = vector.broadcast %sub3A_222 : i32 to vector<8x256xi32>
    %sub3A_224 = arith.subi %div3A_198, %sub3A_223 : vector<8x256xi32>
    %select_n3A_225 = arith.select %and3A_221, %sub3A_224, %div3A_198 : vector<8x256xi1>, vector<8x256xi32>
    %eq3A_226 = arith.cmpi eq, %select_n3A_225, %iota3A_186 : vector<8x256xi32>
    %and3A_227 = arith.andi %and3A_193, %eq3A_226 : vector<8x256xi1>
    %convert_element_type3A_228 = arith.extui %and3A_227 : vector<8x256xi1> to vector<8x256xi32>
    %convert_element_type3A_229 = arith.sitofp %convert_element_type3A_228 : vector<8x256xi32> to vector<8x256xf32>
    %dot_general3A_230 = arith.constant dense<0.000000e+00> : vector<4096x256xf32>
    %dot_general3A_231 = tpu.matmul %convert_element_type3A_185, %convert_element_type3A_229, %dot_general3A_230 {dimension_numbers = #tpu.dot_dimension_numbers<[1], [0], [0], [1], [0, 0, 1, 1], [], []>, transpose_lhs_hint = false} : vector<4096x8xf32>, vector<8x256xf32>, vector<4096x256xf32> -> vector<4096x256xf32>
    %get3A_232 = arith.constant 0 : index
    %get3A_233 = arith.constant 0 : index
    %get3A_234 = vector.load %arg3[%get3A_232, %get3A_233] : memref<4096x8xi32, #tpu.memory_space<vmem>>, vector<4096x8xi32>
    %convert_element_type3A_235 = arith.sitofp %get3A_234 : vector<4096x8xi32> to vector<4096x8xf32>
    %iota3A_236 = tpu.iota {dimensions = array<i32: 0>} : vector<8x256xi32>
    %iota3A_237 = tpu.iota {dimensions = array<i32: 1>} : vector<8x256xi32>
    %ge3A_238 = arith.constant 112 : i32
    %ge3A_239 = vector.broadcast %ge3A_238 : i32 to vector<8x256xi32>
    %ge3A_240 = arith.cmpi sge, %iota3A_237, %ge3A_239 : vector<8x256xi32>
    %lt3A_241 = arith.constant 240 : i32
    %lt3A_242 = vector.broadcast %lt3A_241 : i32 to vector<8x256xi32>
    %lt3A_243 = arith.cmpi slt, %iota3A_237, %lt3A_242 : vector<8x256xi32>
    %and3A_244 = arith.andi %ge3A_240, %lt3A_243 : vector<8x256xi1>
    %sub3A_245 = arith.constant 112 : i32
    %sub3A_246 = vector.broadcast %sub3A_245 : i32 to vector<8x256xi32>
    %sub3A_247 = arith.subi %iota3A_237, %sub3A_246 : vector<8x256xi32>
    %jit3A_248 = arith.constant 16 : i32
    %div3A_249 = vector.broadcast %jit3A_248 : i32 to vector<8x256xi32>
    %div3A_250 = arith.divsi %sub3A_247, %div3A_249 : vector<8x256xi32>
    %sign3A_251 = arith.constant 0 : i32
    %sign3A_252 = vector.broadcast %sign3A_251 : i32 to vector<8x256xi32>
    %sign3A_253 = arith.cmpi sgt, %sub3A_247, %sign3A_252 : vector<8x256xi32>
    %sign3A_254 = arith.extui %sign3A_253 : vector<8x256xi1> to vector<8x256xi32>
    %sign3A_255 = arith.constant 0 : i32
    %sign3A_256 = vector.broadcast %sign3A_255 : i32 to vector<8x256xi32>
    %sign3A_257 = arith.cmpi slt, %sub3A_247, %sign3A_256 : vector<8x256xi32>
    %sign3A_258 = arith.extui %sign3A_257 : vector<8x256xi1> to vector<8x256xi32>
    %sign3A_259 = arith.subi %sign3A_254, %sign3A_258 : vector<8x256xi32>
    %sign3A_260 = arith.constant 0 : i32
    %sign3A_261 = arith.cmpi sgt, %jit3A_248, %sign3A_260 : i32
    %sign3A_262 = arith.extui %sign3A_261 : i1 to i32
    %sign3A_263 = arith.constant 0 : i32
    %sign3A_264 = arith.cmpi slt, %jit3A_248, %sign3A_263 : i32
    %sign3A_265 = arith.extui %sign3A_264 : i1 to i32
    %sign3A_266 = arith.subi %sign3A_262, %sign3A_265 : i32
    %ne3A_267 = vector.broadcast %sign3A_266 : i32 to vector<8x256xi32>
    %ne3A_268 = arith.cmpi ne, %sign3A_259, %ne3A_267 : vector<8x256xi32>
    %rem3A_269 = vector.broadcast %jit3A_248 : i32 to vector<8x256xi32>
    %rem3A_270 = arith.remsi %sub3A_247, %rem3A_269 : vector<8x256xi32>
    %ne3A_271 = arith.constant 0 : i32
    %ne3A_272 = vector.broadcast %ne3A_271 : i32 to vector<8x256xi32>
    %ne3A_273 = arith.cmpi ne, %rem3A_270, %ne3A_272 : vector<8x256xi32>
    %and3A_274 = arith.andi %ne3A_268, %ne3A_273 : vector<8x256xi1>
    %sub3A_275 = arith.constant 1 : i32
    %sub3A_276 = vector.broadcast %sub3A_275 : i32 to vector<8x256xi32>
    %sub3A_277 = arith.subi %div3A_250, %sub3A_276 : vector<8x256xi32>
    %select_n3A_278 = arith.select %and3A_274, %sub3A_277, %div3A_250 : vector<8x256xi1>, vector<8x256xi32>
    %eq3A_279 = arith.cmpi eq, %select_n3A_278, %iota3A_236 : vector<8x256xi32>
    %and3A_280 = arith.andi %and3A_244, %eq3A_279 : vector<8x256xi1>
    %convert_element_type3A_281 = arith.extui %and3A_280 : vector<8x256xi1> to vector<8x256xi32>
    %convert_element_type3A_282 = arith.sitofp %convert_element_type3A_281 : vector<8x256xi32> to vector<8x256xf32>
    %dot_general3A_283 = arith.constant dense<0.000000e+00> : vector<4096x256xf32>
    %dot_general3A_284 = tpu.matmul %convert_element_type3A_235, %convert_element_type3A_282, %dot_general3A_283 {dimension_numbers = #tpu.dot_dimension_numbers<[1], [0], [0], [1], [0, 0, 1, 1], [], []>, transpose_lhs_hint = false} : vector<4096x8xf32>, vector<8x256xf32>, vector<4096x256xf32> -> vector<4096x256xf32>
    %add3A_285 = arith.addf %dot_general3A_231, %dot_general3A_284 : vector<4096x256xf32>
    %get3A_286 = arith.constant 0 : index
    %get3A_287 = arith.constant 0 : index
    %get3A_288 = vector.load %arg4[%get3A_286, %get3A_287] : memref<4096x4xi32, #tpu.memory_space<vmem>>, vector<4096x4xi32>
    %convert_element_type3A_289 = arith.sitofp %get3A_288 : vector<4096x4xi32> to vector<4096x4xf32>
    %iota3A_290 = tpu.iota {dimensions = array<i32: 0>} : vector<4x256xi32>
    %iota3A_291 = tpu.iota {dimensions = array<i32: 1>} : vector<4x256xi32>
    %ge3A_292 = arith.constant 240 : i32
    %ge3A_293 = vector.broadcast %ge3A_292 : i32 to vector<4x256xi32>
    %ge3A_294 = arith.cmpi sge, %iota3A_291, %ge3A_293 : vector<4x256xi32>
    %lt3A_295 = arith.constant 256 : i32
    %lt3A_296 = vector.broadcast %lt3A_295 : i32 to vector<4x256xi32>
    %lt3A_297 = arith.cmpi slt, %iota3A_291, %lt3A_296 : vector<4x256xi32>
    %and3A_298 = arith.andi %ge3A_294, %lt3A_297 : vector<4x256xi1>
    %sub3A_299 = arith.constant 240 : i32
    %sub3A_300 = vector.broadcast %sub3A_299 : i32 to vector<4x256xi32>
    %sub3A_301 = arith.subi %iota3A_291, %sub3A_300 : vector<4x256xi32>
    %jit3A_302 = arith.constant 4 : i32
    %div3A_303 = vector.broadcast %jit3A_302 : i32 to vector<4x256xi32>
    %div3A_304 = arith.divsi %sub3A_301, %div3A_303 : vector<4x256xi32>
    %sign3A_305 = arith.constant 0 : i32
    %sign3A_306 = vector.broadcast %sign3A_305 : i32 to vector<4x256xi32>
    %sign3A_307 = arith.cmpi sgt, %sub3A_301, %sign3A_306 : vector<4x256xi32>
    %sign3A_308 = arith.extui %sign3A_307 : vector<4x256xi1> to vector<4x256xi32>
    %sign3A_309 = arith.constant 0 : i32
    %sign3A_310 = vector.broadcast %sign3A_309 : i32 to vector<4x256xi32>
    %sign3A_311 = arith.cmpi slt, %sub3A_301, %sign3A_310 : vector<4x256xi32>
    %sign3A_312 = arith.extui %sign3A_311 : vector<4x256xi1> to vector<4x256xi32>
    %sign3A_313 = arith.subi %sign3A_308, %sign3A_312 : vector<4x256xi32>
    %sign3A_314 = arith.constant 0 : i32
    %sign3A_315 = arith.cmpi sgt, %jit3A_302, %sign3A_314 : i32
    %sign3A_316 = arith.extui %sign3A_315 : i1 to i32
    %sign3A_317 = arith.constant 0 : i32
    %sign3A_318 = arith.cmpi slt, %jit3A_302, %sign3A_317 : i32
    %sign3A_319 = arith.extui %sign3A_318 : i1 to i32
    %sign3A_320 = arith.subi %sign3A_316, %sign3A_319 : i32
    %ne3A_321 = vector.broadcast %sign3A_320 : i32 to vector<4x256xi32>
    %ne3A_322 = arith.cmpi ne, %sign3A_313, %ne3A_321 : vector<4x256xi32>
    %rem3A_323 = vector.broadcast %jit3A_302 : i32 to vector<4x256xi32>
    %rem3A_324 = arith.remsi %sub3A_301, %rem3A_323 : vector<4x256xi32>
    %ne3A_325 = arith.constant 0 : i32
    %ne3A_326 = vector.broadcast %ne3A_325 : i32 to vector<4x256xi32>
    %ne3A_327 = arith.cmpi ne, %rem3A_324, %ne3A_326 : vector<4x256xi32>
    %and3A_328 = arith.andi %ne3A_322, %ne3A_327 : vector<4x256xi1>
    %sub3A_329 = arith.constant 1 : i32
    %sub3A_330 = vector.broadcast %sub3A_329 : i32 to vector<4x256xi32>
    %sub3A_331 = arith.subi %div3A_304, %sub3A_330 : vector<4x256xi32>
    %select_n3A_332 = arith.select %and3A_328, %sub3A_331, %div3A_304 : vector<4x256xi1>, vector<4x256xi32>
    %eq3A_333 = arith.cmpi eq, %select_n3A_332, %iota3A_290 : vector<4x256xi32>
    %and3A_334 = arith.andi %and3A_298, %eq3A_333 : vector<4x256xi1>
    %convert_element_type3A_335 = arith.extui %and3A_334 : vector<4x256xi1> to vector<4x256xi32>
    %convert_element_type3A_336 = arith.sitofp %convert_element_type3A_335 : vector<4x256xi32> to vector<4x256xf32>
    %dot_general3A_337 = arith.constant dense<0.000000e+00> : vector<4096x256xf32>
    %dot_general3A_338 = tpu.matmul %convert_element_type3A_289, %convert_element_type3A_336, %dot_general3A_337 {dimension_numbers = #tpu.dot_dimension_numbers<[1], [0], [0], [1], [0, 0, 1, 1], [], []>, transpose_lhs_hint = false} : vector<4096x4xf32>, vector<4x256xf32>, vector<4096x256xf32> -> vector<4096x256xf32>
    %add3A_339 = arith.addf %add3A_285, %dot_general3A_338 : vector<4096x256xf32>
    %iota3A_340 = tpu.iota {dimensions = array<i32: 1>} : vector<1x256xi32>
    %lt3A_341 = arith.constant 112 : i32
    %lt3A_342 = vector.broadcast %lt3A_341 : i32 to vector<1x256xi32>
    %lt3A_343 = arith.cmpi slt, %iota3A_340, %lt3A_342 : vector<1x256xi32>
    %jit3A_344 = arith.constant 14 : i32
    %eq3A_345 = arith.constant 0 : i32
    %eq3A_346 = arith.cmpi eq, %jit3A_344, %eq3A_345 : i32
    %jit3A_347 = arith.constant 1 : i32
    %select_n3A_348 = arith.select %eq3A_346, %jit3A_347, %jit3A_344 : i32
    %rem3A_349 = vector.broadcast %select_n3A_348 : i32 to vector<1x256xi32>
    %rem3A_350 = arith.remsi %iota3A_340, %rem3A_349 : vector<1x256xi32>
    %ne3A_351 = arith.constant 0 : i32
    %ne3A_352 = vector.broadcast %ne3A_351 : i32 to vector<1x256xi32>
    %ne3A_353 = arith.cmpi ne, %rem3A_350, %ne3A_352 : vector<1x256xi32>
    %lt3A_354 = arith.constant 0 : i32
    %lt3A_355 = vector.broadcast %lt3A_354 : i32 to vector<1x256xi32>
    %lt3A_356 = arith.cmpi slt, %rem3A_350, %lt3A_355 : vector<1x256xi32>
    %lt3A_357 = arith.constant 0 : i32
    %lt3A_358 = arith.cmpi slt, %select_n3A_348, %lt3A_357 : i32
    %ne3A_359 = vector.broadcast %lt3A_358 : i1 to vector<1x256xi1>
    %ne3A_360 = vector.broadcast %ne3A_359 : vector<1x256xi1> to vector<1x256xi1>
    %ne3A_361 = arith.xori %lt3A_356, %ne3A_360 : vector<1x256xi1>
    %and3A_362 = arith.andi %ne3A_361, %ne3A_353 : vector<1x256xi1>
    %add3A_363 = vector.broadcast %select_n3A_348 : i32 to vector<1x256xi32>
    %add3A_364 = arith.addi %rem3A_350, %add3A_363 : vector<1x256xi32>
    %select_n3A_365 = arith.select %and3A_362, %add3A_364, %rem3A_350 : vector<1x256xi1>, vector<1x256xi32>
    %lt3A_366 = arith.constant 240 : i32
    %lt3A_367 = vector.broadcast %lt3A_366 : i32 to vector<1x256xi32>
    %lt3A_368 = arith.cmpi slt, %iota3A_340, %lt3A_367 : vector<1x256xi32>
    %sub3A_369 = arith.constant 112 : i32
    %sub3A_370 = vector.broadcast %sub3A_369 : i32 to vector<1x256xi32>
    %sub3A_371 = arith.subi %iota3A_340, %sub3A_370 : vector<1x256xi32>
    %jit3A_372 = arith.constant 16 : i32
    %eq3A_373 = arith.constant 0 : i32
    %eq3A_374 = arith.cmpi eq, %jit3A_372, %eq3A_373 : i32
    %jit3A_375 = arith.constant 1 : i32
    %select_n3A_376 = arith.select %eq3A_374, %jit3A_375, %jit3A_372 : i32
    %rem3A_377 = vector.broadcast %select_n3A_376 : i32 to vector<1x256xi32>
    %rem3A_378 = arith.remsi %sub3A_371, %rem3A_377 : vector<1x256xi32>
    %ne3A_379 = arith.constant 0 : i32
    %ne3A_380 = vector.broadcast %ne3A_379 : i32 to vector<1x256xi32>
    %ne3A_381 = arith.cmpi ne, %rem3A_378, %ne3A_380 : vector<1x256xi32>
    %lt3A_382 = arith.constant 0 : i32
    %lt3A_383 = vector.broadcast %lt3A_382 : i32 to vector<1x256xi32>
    %lt3A_384 = arith.cmpi slt, %rem3A_378, %lt3A_383 : vector<1x256xi32>
    %lt3A_385 = arith.constant 0 : i32
    %lt3A_386 = arith.cmpi slt, %select_n3A_376, %lt3A_385 : i32
    %ne3A_387 = vector.broadcast %lt3A_386 : i1 to vector<1x256xi1>
    %ne3A_388 = vector.broadcast %ne3A_387 : vector<1x256xi1> to vector<1x256xi1>
    %ne3A_389 = arith.xori %lt3A_384, %ne3A_388 : vector<1x256xi1>
    %and3A_390 = arith.andi %ne3A_389, %ne3A_381 : vector<1x256xi1>
    %add3A_391 = vector.broadcast %select_n3A_376 : i32 to vector<1x256xi32>
    %add3A_392 = arith.addi %rem3A_378, %add3A_391 : vector<1x256xi32>
    %select_n3A_393 = arith.select %and3A_390, %add3A_392, %rem3A_378 : vector<1x256xi1>, vector<1x256xi32>
    %sub3A_394 = arith.constant 240 : i32
    %sub3A_395 = vector.broadcast %sub3A_394 : i32 to vector<1x256xi32>
    %sub3A_396 = arith.subi %iota3A_340, %sub3A_395 : vector<1x256xi32>
    %jit3A_397 = arith.constant 4 : i32
    %eq3A_398 = arith.constant 0 : i32
    %eq3A_399 = arith.cmpi eq, %jit3A_397, %eq3A_398 : i32
    %jit3A_400 = arith.constant 1 : i32
    %select_n3A_401 = arith.select %eq3A_399, %jit3A_400, %jit3A_397 : i32
    %rem3A_402 = vector.broadcast %select_n3A_401 : i32 to vector<1x256xi32>
    %rem3A_403 = arith.remsi %sub3A_396, %rem3A_402 : vector<1x256xi32>
    %ne3A_404 = arith.constant 0 : i32
    %ne3A_405 = vector.broadcast %ne3A_404 : i32 to vector<1x256xi32>
    %ne3A_406 = arith.cmpi ne, %rem3A_403, %ne3A_405 : vector<1x256xi32>
    %lt3A_407 = arith.constant 0 : i32
    %lt3A_408 = vector.broadcast %lt3A_407 : i32 to vector<1x256xi32>
    %lt3A_409 = arith.cmpi slt, %rem3A_403, %lt3A_408 : vector<1x256xi32>
    %lt3A_410 = arith.constant 0 : i32
    %lt3A_411 = arith.cmpi slt, %select_n3A_401, %lt3A_410 : i32
    %ne3A_412 = vector.broadcast %lt3A_411 : i1 to vector<1x256xi1>
    %ne3A_413 = vector.broadcast %ne3A_412 : vector<1x256xi1> to vector<1x256xi1>
    %ne3A_414 = arith.xori %lt3A_409, %ne3A_413 : vector<1x256xi1>
    %and3A_415 = arith.andi %ne3A_414, %ne3A_406 : vector<1x256xi1>
    %add3A_416 = vector.broadcast %select_n3A_401 : i32 to vector<1x256xi32>
    %add3A_417 = arith.addi %rem3A_403, %add3A_416 : vector<1x256xi32>
    %select_n3A_418 = arith.select %and3A_415, %add3A_417, %rem3A_403 : vector<1x256xi1>, vector<1x256xi32>
    %select_n3A_419 = arith.select %lt3A_368, %select_n3A_393, %select_n3A_418 : vector<1x256xi1>, vector<1x256xi32>
    %select_n3A_420 = arith.select %lt3A_343, %select_n3A_365, %select_n3A_419 : vector<1x256xi1>, vector<1x256xi32>
    %convert_element_type3A_421 = arith.sitofp %select_n3A_420 : vector<1x256xi32> to vector<1x256xf32>
    %eq3A_422 = vector.broadcast %convert_element_type3A_421 : vector<1x256xf32> to vector<4096x256xf32>
    %eq3A_423 = arith.cmpf oeq, %add3A_339, %eq3A_422 : vector<4096x256xf32>
    %convert_element_type3A_424 = arith.extui %eq3A_423 : vector<4096x256xi1> to vector<4096x256xi32>
    %convert_element_type3A_425 = arith.sitofp %convert_element_type3A_424 : vector<4096x256xi32> to vector<4096x256xf32>
    %dot_general3A_426 = arith.constant dense<0.000000e+00> : vector<4096x100xf32>
    %dot_general3A_427 = tpu.matmul %convert_element_type3A_425, %dot_general3A_181, %dot_general3A_426 {dimension_numbers = #tpu.dot_dimension_numbers<[1], [0], [0], [1], [0, 0, 1, 1], [], []>, transpose_lhs_hint = false} : vector<4096x256xf32>, vector<256x100xf32>, vector<4096x100xf32> -> vector<4096x100xf32>
    %slice3A = vector.extract_strided_slice %dot_general3A_427 {offsets = [0, 96], sizes = [4096, 3], strides = [1, 1]} : vector<4096x100xf32> to vector<4096x3xf32>
    %div3A_428 = arith.constant 1.000000e+00 : f32
    %div3A_429 = vector.broadcast %div3A_428 : f32 to vector<4096x3xf32>
    %div3A_430 = arith.divf %div3A_429, %slice3A : vector<4096x3xf32>
    %iota3A_431 = tpu.iota {dimensions = array<i32: 0>} : vector<3x96xi32>
    %iota3A_432 = tpu.iota {dimensions = array<i32: 1>} : vector<3x96xi32>
    %jit3A_433 = arith.constant 32 : i32
    %div3A_434 = vector.broadcast %jit3A_433 : i32 to vector<3x96xi32>
    %div3A_435 = arith.divsi %iota3A_432, %div3A_434 : vector<3x96xi32>
    %sign3A_436 = arith.constant 0 : i32
    %sign3A_437 = vector.broadcast %sign3A_436 : i32 to vector<3x96xi32>
    %sign3A_438 = arith.cmpi sgt, %iota3A_432, %sign3A_437 : vector<3x96xi32>
    %sign3A_439 = arith.extui %sign3A_438 : vector<3x96xi1> to vector<3x96xi32>
    %sign3A_440 = arith.constant 0 : i32
    %sign3A_441 = vector.broadcast %sign3A_440 : i32 to vector<3x96xi32>
    %sign3A_442 = arith.cmpi slt, %iota3A_432, %sign3A_441 : vector<3x96xi32>
    %sign3A_443 = arith.extui %sign3A_442 : vector<3x96xi1> to vector<3x96xi32>
    %sign3A_444 = arith.subi %sign3A_439, %sign3A_443 : vector<3x96xi32>
    %sign3A_445 = arith.constant 0 : i32
    %sign3A_446 = arith.cmpi sgt, %jit3A_433, %sign3A_445 : i32
    %sign3A_447 = arith.extui %sign3A_446 : i1 to i32
    %sign3A_448 = arith.constant 0 : i32
    %sign3A_449 = arith.cmpi slt, %jit3A_433, %sign3A_448 : i32
    %sign3A_450 = arith.extui %sign3A_449 : i1 to i32
    %sign3A_451 = arith.subi %sign3A_447, %sign3A_450 : i32
    %ne3A_452 = vector.broadcast %sign3A_451 : i32 to vector<3x96xi32>
    %ne3A_453 = arith.cmpi ne, %sign3A_444, %ne3A_452 : vector<3x96xi32>
    %rem3A_454 = vector.broadcast %jit3A_433 : i32 to vector<3x96xi32>
    %rem3A_455 = arith.remsi %iota3A_432, %rem3A_454 : vector<3x96xi32>
    %ne3A_456 = arith.constant 0 : i32
    %ne3A_457 = vector.broadcast %ne3A_456 : i32 to vector<3x96xi32>
    %ne3A_458 = arith.cmpi ne, %rem3A_455, %ne3A_457 : vector<3x96xi32>
    %and3A_459 = arith.andi %ne3A_453, %ne3A_458 : vector<3x96xi1>
    %sub3A_460 = arith.constant 1 : i32
    %sub3A_461 = vector.broadcast %sub3A_460 : i32 to vector<3x96xi32>
    %sub3A_462 = arith.subi %div3A_435, %sub3A_461 : vector<3x96xi32>
    %select_n3A_463 = arith.select %and3A_459, %sub3A_462, %div3A_435 : vector<3x96xi1>, vector<3x96xi32>
    %eq3A_464 = arith.cmpi eq, %select_n3A_463, %iota3A_431 : vector<3x96xi32>
    %convert_element_type3A_465 = arith.extui %eq3A_464 : vector<3x96xi1> to vector<3x96xi32>
    %convert_element_type3A_466 = arith.sitofp %convert_element_type3A_465 : vector<3x96xi32> to vector<3x96xf32>
    %convert_element_type3A_467 = arith.truncf %div3A_430 : vector<4096x3xf32> to vector<4096x3xbf16>
    %convert_element_type3A_468 = arith.extf %convert_element_type3A_467 : vector<4096x3xbf16> to vector<4096x3xf32>
    %sub3A_469 = arith.subf %div3A_430, %convert_element_type3A_468 : vector<4096x3xf32>
    %dot_general3A_470 = arith.constant dense<0.000000e+00> : vector<4096x96xf32>
    %dot_general3A_471 = tpu.matmul %convert_element_type3A_468, %convert_element_type3A_466, %dot_general3A_470 {dimension_numbers = #tpu.dot_dimension_numbers<[1], [0], [0], [1], [0, 0, 1, 1], [], []>, transpose_lhs_hint = false} : vector<4096x3xf32>, vector<3x96xf32>, vector<4096x96xf32> -> vector<4096x96xf32>
    %dot_general3A_472 = arith.constant dense<0.000000e+00> : vector<4096x96xf32>
    %dot_general3A_473 = tpu.matmul %sub3A_469, %convert_element_type3A_466, %dot_general3A_472 {dimension_numbers = #tpu.dot_dimension_numbers<[1], [0], [0], [1], [0, 0, 1, 1], [], []>, transpose_lhs_hint = false} : vector<4096x3xf32>, vector<3x96xf32>, vector<4096x96xf32> -> vector<4096x96xf32>
    %add3A_474 = arith.addf %dot_general3A_471, %dot_general3A_473 : vector<4096x96xf32>
    %slice3A_475 = vector.extract_strided_slice %dot_general3A_427 {offsets = [0, 0], sizes = [4096, 96], strides = [1, 1]} : vector<4096x100xf32> to vector<4096x96xf32>
    %mul3A_476 = arith.mulf %slice3A_475, %add3A_474 : vector<4096x96xf32>
    %swap3A_477 = arith.constant 0 : index
    %swap3A_478 = arith.constant 64 : index
    %swap3A_479 = vector.load %arg11[%swap3A_477, %swap3A_478] : memref<4096x160xf32, #tpu.memory_space<vmem>>, vector<4096x96xf32>
    tpu.vector_store %arg11[%swap3A_477, %swap3A_478], %mul3A_476 {strides = array<i32>} : memref<4096x160xf32, #tpu.memory_space<vmem>>, vector<4096x96xf32>,
    return
  }
  func.func @transform_0(%arg0: i32) -> (i32, i32) {
    %c0_i32 = arith.constant 0 : i32
    %c0_i32_0 = arith.constant 0 : i32
    return %arg0, %c0_i32 : i32, i32
  }
  func.func @transform_1(%arg0: i32) -> (i32, i32) {
    %c0_i32 = arith.constant 0 : i32
    %c0_i32_0 = arith.constant 0 : i32
    return %arg0, %c0_i32 : i32, i32
  }
  func.func @transform_2(%arg0: i32) -> (i32, i32) {
    %c0_i32 = arith.constant 0 : i32
    %c0_i32_0 = arith.constant 0 : i32
    return %arg0, %c0_i32 : i32, i32
  }
  func.func @transform_3(%arg0: i32) -> (i32, i32) {
    %c0_i32 = arith.constant 0 : i32
    %c0_i32_0 = arith.constant 0 : i32
    return %arg0, %c0_i32 : i32, i32
  }
  func.func @transform_4(%arg0: i32) -> (i32, i32) {
    %c0_i32 = arith.constant 0 : i32
    %c0_i32_0 = arith.constant 0 : i32
    %c0_i32_1 = arith.constant 0 : i32
    return %c0_i32, %c0_i32_0 : i32, i32
  }
  func.func @transform_5(%arg0: i32) -> (i32, i32) {
    %c0_i32 = arith.constant 0 : i32
    %c0_i32_0 = arith.constant 0 : i32
    %c0_i32_1 = arith.constant 0 : i32
    return %c0_i32, %c0_i32_0 : i32, i32
  }
  func.func @transform_6(%arg0: i32) -> (i32, i32) {
    %c0_i32 = arith.constant 0 : i32
    %c0_i32_0 = arith.constant 0 : i32
    %c0_i32_1 = arith.constant 0 : i32
    return %c0_i32, %c0_i32_0 : i32, i32
  }
  func.func @transform_7(%arg0: i32) -> i32 {
    %c0_i32 = arith.constant 0 : i32
    %c0_i32_0 = arith.constant 0 : i32
    return %c0_i32 : i32
  }
  func.func @transform_8(%arg0: i32) -> i32 {
    %c0_i32 = arith.constant 0 : i32
    %c0_i32_0 = arith.constant 0 : i32
    return %c0_i32 : i32
  }
  func.func @transform_9(%arg0: i32) -> i32 {
    %c0_i32 = arith.constant 0 : i32
    %c0_i32_0 = arith.constant 0 : i32
    return %c0_i32 : i32
  }
  func.func @transform_10(%arg0: i32) -> (i32, i32) {
    %c0_i32 = arith.constant 0 : i32
    %c0_i32_0 = arith.constant 0 : i32
    return %arg0, %c0_i32 : i32, i32
  }
}

</mosaic_0001>

<sc_bundles>
// kernel: kernel.4.cloned.1.call-start
scs
__scs_entry_jumppad:
0x0: {  	(pc) =	sbr.rel $0x88, $3  }
0x1: {  	(tag) =	ssettag $0x0;
	lr =	simm.s32 $0x1  }
0x2: {  	[smem:$0x3F96] =	sst lr;
	_ =	strace $0xD0000000  }
0x3: {  	_ = 	snop  }
0x4: {  	_ = 	snop  }
0x5: {  	_ = 	snop  }
0x6: {  	_ = 	snop  }
0x7: {  	_ = 	snop  }
__scs_overlays_trampoline_lowered:
0x8: {  	[smem:$0x3FA5] =	sst s0  }
0x9: {  	[smem:$0x3FA6] =	sst s1  }
0xa: {  	[smem:$0x3FA7] =	sst s2  }
0xb: {  	[smem:$0x3FA8] =	sst s3  }
0xc: {  	[smem:$0x3FA9] =	sst s4  }
0xd: {  	[smem:$0x3FAA] =	sst s5  }
0xe: {  	[smem:$0x3FAB] =	sst s6  }
0xf: {  	[smem:$0x3FAC] =	sst s7  }
0x10: {  	[smem:$0x3FAD] =	sst s8  }
0x11: {  	[smem:$0x3FAE] =	sst s9;
	s0 =	simm.s32 @!p0 $0x0  }
0x12: {  	s1 =	sld [smem:$0x3F94];
	s0 =	simm.s32 @p0 $0x1  }
0x13: {  	[smem:$0x3FAF] =	sst s0;
	s0 =	simm.s32 @!p1 $0x0  }
0x14: {  	s2 =	sld [smem:$0x3F93];
	s0 =	simm.s32 @p1 $0x1  }
0x15: {  	[smem:$0x3FB0] =	sst s0;
	s0 =	simm.s32 @!p2 $0x0  }
0x16: {  	s3 =	sld [smem:$0x3FDB];
	s0 =	simm.s32 @p2 $0x1  }
0x17: {  	s4 =	simm.s32 $0x1BF5;
	[smem:$0x3FB2] =	sst s0  }
0x18: {  	s0 =	sld [smem:$0x3F95];
	_ =	swait.ge [sflag:s4], $0x0  }
0x19: {  	s7 =	sld [smem:$0x3F96]  }
0x1a: {  	s8 =	sadd.s32 $0xFFFFE003, lr  }
0x1b: {  	s9 =	sadd.s32 $0xFFFFFEF7, lr;
	s5 =	simm.s32 $0xFFFFFFFF;
	p2 =	slt.u32 s8, $0xFFFFF086  }
0x1c: {  	p1 =	slt.u32 s9, $0xF7A;
	s5 =	simm.s32 @!p2 $0x0  }
0x1d: {  	s5 =	simm.s32 @p1 $0x1;
	p0 =	seq.s32 s7, s2  }
0x1e: {  	s7 =	smul.u32 @!p0 $0xF7A, s2;
	p2 =	seq.s32 @!p0 s5, $0x0  }
0x1f: {  	s9 =	smul.u32 $0xF7A, s1;
	s8 =	simm.s32 @!p0 $0x1BF5;
	p2 =	por !p2, p0  }
0x20: {  	[sflag:s8] =	ssyncset.s32 @!p0 $0xFFFFF086;
	s6 =	sadd.s32 @!p0 s3, s7;
	s7 =	simm.s32 @!p0 $0x108  }
0x21: {  	s3 =	sadd.s32 s3, s9;
	s6 =	sadd.s32 @!p0 $0x88, s6;
	s7 =	simm.s32 @p2 $0x1082  }
0x22: {  	[simem:s7], [sflag:s8] =	dma.local @!p0 [hbm:s6], $0xF7A  }
0x23: {  	s9 =	sor.u32 $0xD0000000, s2;
	s6 =	simm.s32 $0x108;
	_ =	swait.ge @!p0 [sflag:s8], $0x0  }
0x24: {  	s3 =	sadd.s32 $0x88, s3;
	s6 =	simm.s32 @!p1 $0x1082;
	[sflag:s4] =	ssyncset.s32 $0xFFFFF086  }
0x25: {  	[simem:s6], [sflag:s4] =	dma.local [hbm:s3], $0xF7A  }
0x26: {  	[smem:$0x3F96] =	sst s1;
	(tag) =	ssettag s2;
	_ =	strace s9  }
0x27: {  	s1 =	sld [smem:$0x3FA6]  }
0x28: {  	s2 =	sld [smem:$0x3FA7]  }
0x29: {  	s4 =	sld [smem:$0x3FA9]  }
0x2a: {  	p0 =	seq.s32 s5, $0x0;
	s5 =	sld [smem:$0x3FAA]  }
0x2b: {  	s6 =	sld [smem:$0x3FAB]  }
0x2c: {  	s7 =	sld [smem:$0x3FAC]  }
0x2d: {  	s3 =	simm.s32 $0x108;
	s8 =	sld [smem:$0x3FAD]  }
0x2e: {  	s3 =	simm.s32 @!p0 $0x1082;
	s9 =	sld [smem:$0x3FAE]  }
0x2f: {  	lr =	sadd.s32 s0, s3;
	s0 =	sld [smem:$0x3FA5]  }
0x30: {  	s3 =	sld [smem:$0x3FA8]  }
0x31: {  	[smem:$0x3FB1] =	sst s10  }
0x32: {  	s10 =	sld [smem:$0x3FAF];
	_ =	sdelay $0x3  }
0x33: {  	p0 =	seq.s32 s10, $0x1;
	s10 =	sld [smem:$0x3FB1];
	_ =	sdelay $0x3  }
0x34: {  	[smem:$0x3FB1] =	sst s10  }
0x35: {  	s10 =	sld [smem:$0x3FB0];
	_ =	sdelay $0x3  }
0x36: {  	p1 =	seq.s32 s10, $0x1;
	s10 =	sld [smem:$0x3FB1];
	_ =	sdelay $0x3  }
0x37: {  	[smem:$0x3FB1] =	sst s10  }
0x38: {  	s10 =	sld [smem:$0x3FB2]  }
0x39: {  	_ = 	snop;
	(pc) =	sbr.ind lr, $3  }
0x3a: {  	_ = 	snop  }
0x3b: {  	_ = 	snop  }
0x3c: {  	p2 =	seq.s32 s10, $0x1;
	s10 =	sld [smem:$0x3FB1]  }
0x3d: {  	_ =	shalt  }
0x3e: {  	_ =	shalt  }
0x3f: {  	_ =	shalt  }
0x40: {  	_ =	shalt  }
0x41: {  	_ =	shalt  }
0x42: {  	_ =	shalt  }
0x43: {  	_ =	shalt  }
0x44: {  	_ =	shalt  }
0x45: {  	_ =	shalt  }
0x46: {  	_ =	shalt  }
0x47: {  	_ =	shalt  }
0x48: {  	_ =	shalt  }
0x49: {  	_ =	shalt  }
0x4a: {  	_ =	shalt  }
0x4b: {  	_ =	shalt  }
0x4c: {  	_ =	shalt  }
0x4d: {  	_ =	shalt  }
0x4e: {  	_ =	shalt  }
0x4f: {  	_ =	shalt  }
0x50: {  	_ =	shalt  }
0x51: {  	_ =	shalt  }
0x52: {  	_ =	shalt  }
0x53: {  	_ =	shalt  }
0x54: {  	_ =	shalt  }
0x55: {  	_ =	shalt  }
0x56: {  	_ =	shalt  }
0x57: {  	_ =	shalt  }
0x58: {  	_ =	shalt  }
0x59: {  	_ =	shalt  }
0x5a: {  	_ =	shalt  }
0x5b: {  	_ =	shalt  }
0x5c: {  	_ =	shalt  }
0x5d: {  	_ =	shalt  }
0x5e: {  	_ =	shalt  }
0x5f: {  	_ =	shalt  }
0x60: {  	_ =	shalt  }
0x61: {  	_ =	shalt  }
0x62: {  	_ =	shalt  }
0x63: {  	_ =	shalt  }
0x64: {  	_ =	shalt  }
0x65: {  	_ =	shalt  }
0x66: {  	_ =	shalt  }
0x67: {  	_ =	shalt  }
0x68: {  	_ =	shalt  }
0x69: {  	_ =	shalt  }
0x6a: {  	_ =	shalt  }
0x6b: {  	_ =	shalt  }
0x6c: {  	_ =	shalt  }
0x6d: {  	_ =	shalt  }
0x6e: {  	_ =	shalt  }
0x6f: {  	_ =	shalt  }
0x70: {  	_ =	shalt  }
0x71: {  	_ =	shalt  }
0x72: {  	_ =	shalt  }
0x73: {  	_ =	shalt  }
0x74: {  	_ =	shalt  }
0x75: {  	_ =	shalt  }
0x76: {  	_ =	shalt  }
0x77: {  	_ =	shalt  }
0x78: {  	_ =	shalt  }
0x79: {  	_ =	shalt  }
0x7a: {  	_ =	shalt  }
0x7b: {  	_ =	shalt  }
0x7c: {  	_ =	shalt  }
0x7d: {  	_ =	shalt  }
0x7e: {  	_ =	shalt  }
0x7f: {  	_ =	shalt  }
0x80: {  	_ =	shalt  }
0x81: {  	_ =	shalt  }
0x82: {  	_ =	shalt  }
0x83: {  	_ =	shalt  }
0x84: {  	_ =	shalt  }
0x85: {  	_ =	shalt  }
0x86: {  	_ =	shalt  }
0x87: {  	_ =	shalt  }
.Lfunc_end0:
.L_simem_size_0:
called_computation_lowered:
.L_overlay_start_0:
0x88: {  	s2 =	sld [smem:$0x3FD9]  }
0x89: {  	s3 =	sld [smem:$0x3FFE];
	_ =	sdelay $0x1  }
0x8a: {  	s1 =	srdreg.scid  }
0x8b: {  	s0 =	sand.u32 $0x1, s1  }
0x8c: {  	s17 =	sshll.u32 s0, $0xA;
	s2 =	sadd.s32 s3, s2  }
0x8d: {  	s2 =	sadd.s32 s2, s17  }
0x8e: {  	[smem:$0x3FBD] =	sst s2  }
0x8f: {  	_ = 	snop  }
0x90: {  	s2 =	sld [smem:$0x3FC9];
	(tm) =	ssettm $0x1  }
0x91: {  	s18 =	sld [smem:$0x3FFB];
	_ =	sdelay $0x3  }
0x92: {  	_ =	strace s18  }
0x93: {  	s3 =	sld [smem:$0x3FFC];
	_ =	sdelay $0x3  }
0x94: {  	_ =	strace s3  }
0x95: {  	s3 =	sld [smem:$0x3FFD];
	_ =	sdelay $0x3  }
0x96: {  	_ =	strace s3  }
0x97: {  	_ =	strace $0x8FFFFFFF  }
0x98: {  	s19 =	sld [smem:$0x3FDB];
	_ =	sdelay $0x1  }
0x99: {  	s4 =	simm.s32 $_scs_section_size  }
0x9a: {  	s5 =	simm.s32 $_size__tile_overlayer_lowered;
	s6 =	simm.s32 $_tile_overlayer_lowered  }
0x9b: {  	s22 =	simm.s32 $0x1BFF;
	s21 =	sshll.u32 s6, $0x1;
	s3 =	sadd.s32 s4, s19  }
0x9c: {  	s7 =	simm.s32 $0x0;
	s20 =	sshll.u32 s5, $0x1;
	s5 =	sadd.s32 s21, s3  }
0x9d: {  	[timem:s7], [sflag:s22] =	dma.local [hbm:s5], s20  }
0x9e: {  	_ =	swait.ge [sflag:s22], s20  }
0x9f: {  	s4 =	ssub.s32 $0x0, s20;
	[sflag:s22] =	ssyncset.done $0x0  }
0xa0: {  	[sflag:s22] =	ssyncadd.s32 s4;
	_ =	sdelay $0x1  }
0xa1: {  	s23 =	simm.s32 $0x1B8B  }
0xa2: {  	_ =	swait.ge [sflag:s23], $0x1  }
0xa3: {  	[sflag:s23] =	ssyncset.done $0x0  }
0xa4: {  	s25 =	simm.s32 $0x1B8E;
	s24 =	sld [smem:$0x3FFE];
	[sflag:s23] =	ssyncadd.s32 $0xFFFFFFFF  }
0xa5: {  	s26 =	simm.s32 $execute0_lowered;
	[smem:$0x3FD2] =	sst s25  }
0xa6: {  	s5 =	sshll.u32 s26, $0x1;
	_ =	strace $0x80000046;
	[dreg:$0x1] =	wrdreg $0xFFFFFFFF  }
0xa7: {  	s28 =	simm.s32 $_size_execute0_lowered;
	s3 =	sadd.s32 s3, s5;
	[dreg:$0x0] =	wrdreg $0x0  }
0xa8: {  	s5 =	sshll.u32 s28, $0x1;
	[dreg:$0x2] =	wrdreg s3  }
0xa9: {  	[dreg:$0x3] =	wrdreg s5  }
0xaa: {  	[dreg:$0x4] =	wrdreg $0xC0  }
0xab: {  	_ =	task [dreg:s7], $0x5FFFF  }
0xac: {  	[dreg:$0x1] =	wrdreg $0xFFFFFFFF  }
0xad: {  	[dreg:$0x0] =	wrdreg $0x60  }
0xae: {  	[dreg:$0x2] =	wrdreg s24  }
0xaf: {  	[dreg:$0x3] =	wrdreg s2  }
0xb0: {  	[dreg:$0x4] =	wrdreg $0x9  }
0xb1: {  	_ =	task.clear_ibuf [dreg:s7], $0x5FFFF;
	_ =	strace $0x90000046  }
0xb2: {  	s29 =	simm.s32 $0x9;
	_ =	strace $0x80000048  }
0xb3: {  	_ =	swait.ge [sflag:s29], $0x1  }
0xb4: {  	[sflag:s29] =	ssyncadd.s32 $0xFFFFFFFF  }
0xb5: {  	_ =	strace $0x90000048  }
0xb6: {  	_ =	sfence  }
0xb7: {  	s30 =	sld [smem:$0x0];
	_ =	sdelay $0x2  }
0xb8: {  	s31 =	sshll.u32 s1, $0xD;
	s1 =	sshrl.u32 s1, $0x2  }
0xb9: {  	s3 =	sand.u32 $0x4000, s31;
	s1 =	sadd.s32 s1, s30  }
0xba: {  	s0 =	sor.u32 s3, s0;
	s1 =	sshll.u32 s1, $0x11  }
0xbb: {  	s0 =	sor.u32 s1, s0  }
0xbc: {  	s0 =	sadd.s32 $0x8F2B, s0  }
0xbd: {  	[sflag:s0] =	ssyncadd.remote.s32 $0x1  }
0xbe: {  	_ =	sfence.sel $0xFFFF  }
0xbf: {  	[dreg:$0x0] =	wrdreg $0xFFFFFFFF;
	(pc) =	sbr.abs _section_cstart, $3  }
0xc0: {  	[dreg:$0x1] =	wrdreg $0xFFFFFFFF  }
0xc1: {  	_ =	task.clear_ibuf [dreg:s7], $0x2FFFF;
	_ =	strace $0x9FFFFFFF  }
0xc2: {  	(tm) =	ssettm $0x7FFFFFFF  }
0xc3: {  	_ =	shalt  }
tec
execute0_lowered:
.L_overlay_start_1:
0x0: {  	(tag) =	ssettag $0x1  }
0x1: {  	s1 =	srdreg.scid  }
0x2: {  	s14 =	rddreg [dreg:$0x0];
	s0 =	stileid.u32;
	s15 =	sand.u32 $0x1, s1  }
0x3: {  	s3 =	rddreg [dreg:$0x1];
	s4 =	sshll.u32 s0, $0xA;
	s5 =	sshll.u32 s15, $0x9  }
0x4: {  	s2 =	simm.s32 $0x0;
	s1 =	rddreg [dreg:$0x2];
	s16 =	sor.u32 s5, s4  }
0x5: {  	[smem:$0x7FF] =	sst s2;
	s4 =	sshrl.u32 s16, $0x3  }
0x6: {  	_ =	strace $0x80000047;
	s4 =	sadd.s32 s3, s4;
	s3 =	simm.s32 $0x2  }
0x7: {  	[tilespmem:s2], [sflag:$0x2] =	stream.linear.gather [hbm4b:s4+s2], $0x200, $0x38;
	[tilespmem:$0x10200] =	vst v63  }
0x8: {  	_ =	swait.ge [sflag:s3], $0x200  }
0x9: {  	s6 =	simm.s32 $0x80;
	[sflag:s3] =	ssyncset.done $0x0  }
0xa: {  	s7 =	simm.s32 $0x200;
	s5 =	sadd.s32 $0x1800, s14;
	[sflag:s3] =	ssyncadd.s32 $0xFFFFFE00  }
0xb: {  	[tilespmem:s7], [sflag:$0x1] =	stream.indirect.gather [hbm4b:s5+s6], $0x80, s2, s6, $0xb8;
	[tilespmem:$0x10200] =	vst v63  }
0xc: {  	s8 =	simm.s32 $0x4200  }
0xd: {  	[tilespmem:s8], [sflag:$0x1] =	stream.indirect.gather [hbm4b:s5+s6], $0x80, s6, s6, $0xb8;
	[tilespmem:$0x10200] =	vst v63  }
0xe: {  	s9 =	simm.s32 $0x100;
	s10 =	simm.s32 $0x8200  }
0xf: {  	[tilespmem:s10], [sflag:$0x1] =	stream.indirect.gather [hbm4b:s5+s6], $0x80, s9, s6, $0xb8;
	[tilespmem:$0x10200] =	vst v63  }
0x10: {  	s11 =	simm.s32 $0x180;
	s12 =	simm.s32 $0xC200;
	s13 =	simm.s32 $0x1  }
0x11: {  	[tilespmem:s12], [sflag:$0x1] =	stream.indirect.gather [hbm4b:s5+s6], $0x80, s11, s6, $0xb8;
	[tilespmem:$0x10200] =	vst v63  }
0x12: {  	_ =	swait.ge [sflag:s13], $0x4000  }
0x13: {  	[sflag:s13] =	ssyncset.done $0x0  }
0x14: {  	[sflag:s13] =	ssyncadd.s32 $0xFFFFC000  }
0x15: {  	_ =	swait.ge [sflag:s13], $0x4000  }
0x16: {  	[sflag:s13] =	ssyncset.done $0x0  }
0x17: {  	s15 =	ssub.s32 $0x2, s15;
	[sflag:s13] =	ssyncadd.s32 $0xFFFFC000  }
0x18: {  	s17 =	sshrl.u32 s15, $0x1;
	_ =	swait.ge [sflag:s13], $0x4000  }
0x19: {  	s15 =	ssub.s32 s15, s17;
	[sflag:s13] =	ssyncset.done $0x0  }
0x1a: {  	s15 =	smax.u32 s15, $0x1;
	[sflag:s13] =	ssyncadd.s32 $0xFFFFC000  }
0x1b: {  	s16 =	sshll.u32 s16, $0x4;
	p0 =	sne.s32 s15, $0x1;
	_ =	swait.ge [sflag:s13], $0x4000  }
.Ltmp0:
0x1c: {  	s14 =	sadd.s32 s16, s14;
	[sflag:s13] =	ssyncset.done $0x0;
	(pc) =	sbr.rel @!p0 .LBB2_2-.Ltmp0, $4  }
0x1d: {  	s14 =	sadd.s32 $0x5800, s14;
	[sflag:s13] =	ssyncadd.s32 $0xFFFFC000  }
0x1e: {  	[hbm4b:s14+s2] =	stream.linear.scatter [tilespmem:s7], [sflag:$0x2], $0x10000, $0x38;
	[tilespmem:$0x10200] =	vst v63  }
0x1f: {  	_ =	swait.ge [sflag:s3], $0x10000  }
0x20: {  	s15 =	sadd.s32 $0xFFFFFFFF, s15;
	[sflag:s3] =	ssyncset.done $0x0  }
.LBB2_1:
0x21: {  	p0 =	sne.s32 s15, $0x1;
	s15 =	sadd.s32 $0xFFFFFFFF, s15;
	[sflag:s3] =	ssyncadd.s32 $0xFFFF0000  }
0x22: {  	[tilespmem:s2], [sflag:$0x2] =	stream.linear.gather [hbm4b:s4+s2], $0x200, $0x38;
	[tilespmem:$0x10200] =	vst v63  }
0x23: {  	_ =	swait.ge [sflag:s3], $0x200  }
0x24: {  	[sflag:s3] =	ssyncset.done $0x0  }
0x25: {  	[sflag:s3] =	ssyncadd.s32 $0xFFFFFE00  }
0x26: {  	[tilespmem:s7], [sflag:$0x1] =	stream.indirect.gather [hbm4b:s5+s6], $0x80, s2, s6, $0xb8;
	[tilespmem:$0x10200] =	vst v63  }
0x27: {  	_ = 	snop  }
0x28: {  	[tilespmem:s8], [sflag:$0x1] =	stream.indirect.gather [hbm4b:s5+s6], $0x80, s6, s6, $0xb8;
	[tilespmem:$0x10200] =	vst v63  }
0x29: {  	_ = 	snop  }
0x2a: {  	[tilespmem:s10], [sflag:$0x1] =	stream.indirect.gather [hbm4b:s5+s6], $0x80, s9, s6, $0xb8;
	[tilespmem:$0x10200] =	vst v63  }
0x2b: {  	_ = 	snop  }
0x2c: {  	[tilespmem:s12], [sflag:$0x1] =	stream.indirect.gather [hbm4b:s5+s6], $0x80, s11, s6, $0xb8;
	[tilespmem:$0x10200] =	vst v63  }
0x2d: {  	_ =	swait.ge [sflag:s13], $0x4000  }
0x2e: {  	[sflag:s13] =	ssyncset.done $0x0  }
0x2f: {  	[sflag:s13] =	ssyncadd.s32 $0xFFFFC000  }
0x30: {  	_ =	swait.ge [sflag:s13], $0x4000  }
0x31: {  	[sflag:s13] =	ssyncset.done $0x0  }
0x32: {  	[sflag:s13] =	ssyncadd.s32 $0xFFFFC000  }
0x33: {  	_ =	swait.ge [sflag:s13], $0x4000  }
0x34: {  	[sflag:s13] =	ssyncset.done $0x0  }
0x35: {  	[sflag:s13] =	ssyncadd.s32 $0xFFFFC000  }
0x36: {  	_ =	swait.ge [sflag:s13], $0x4000  }
.Ltmp1:
0x37: {  	[sflag:s13] =	ssyncset.done $0x0;
	(pc) =	sbr.rel @p0 .LBB2_1-.Ltmp1, $4  }
0x38: {  	[sflag:s13] =	ssyncadd.s32 $0xFFFFC000  }
0x39: {  	[hbm4b:s14+s2] =	stream.linear.scatter [tilespmem:s7], [sflag:$0x2], $0x10000, $0x38;
	[tilespmem:$0x10200] =	vst v63  }
0x3a: {  	_ =	swait.ge [sflag:s3], $0x10000  }
0x3b: {  	[sflag:s3] =	ssyncset.done $0x0  }
.LBB2_2:
0x3c: {  	[sflag:s3] =	ssyncadd.s32 $0xFFFF0000  }
0x3d: {  	_ =	sfence.sel $0x180000  }
0x3e: {  	[bflag:$0x0] =	sbarrier.arrive $0xFFFF  }
0x3f: {  	p0 =	sne.s32 s0, $0x0;
	_ =	strace $0x90000047  }
0x40: {  	s0 =	sadd.s32 @!p0 $0x100000, s1;
	[bflag:$0x2] =	sbarrier.arrive $0xFFFF  }
0x41: {  	[sflag:s0] =	ssyncadd.tile.s32 @!p0 $0x1;
	_ =	shalt  }
.Lfunc_end2:
_tile_overlayer_lowered:
.L_overlay_start_2:
0x42: {  	(tag) =	ssettag $0x2  }
0x43: {  	s0 =	rddreg [dreg:$0x0];
	s2 =	stileid.u32  }
0x44: {  	s1 =	rddreg [dreg:$0x1];
	p0 =	sne.s32 s2, $0x0  }
0x45: {  	s3 =	rddreg [dreg:$0x2];
	[bflag:$0x3] =	sbarrier.arrive $0xFFFF;
	s2 =	simm.s32 @!p0 $0x1C02  }
0x46: {  	[timem:s3], [sflag:s2] =	dma.local @!p0 [hbm:s0], s1  }
0x47: {  	s0 =	simm.s32 @!p0 $0x2  }
0x48: {  	_ =	swait.ge @!p0 [sflag:s0], s1  }
0x49: {  	s1 =	ssub.s32 @!p0 $0x0, s1;
	[sflag:s0] =	ssyncset.done @!p0 $0x0  }
0x4a: {  	[sflag:s0] =	ssyncadd.s32 @!p0 s1  }
0x4b: {  	[bflag:$0x3] =	sbarrier.arrive $0xFFFF  }
0x4c: {  	_ =	shalt  }

</sc_bundles>
